<compile_context>
chip_gen: v7x
topology: tpu7x:2x2x1
jax: 0.10.2.dev20260603
libtpu: 0.0.44.dev20260713+nightly
codegen_flags: <defaults>
</compile_context>

<pallas_src>
import jax
import jax.numpy as jnp
from jax import lax
from jax.experimental import pallas as pl
from jax.experimental.pallas import tpu as pltpu
from jax.experimental.pallas import tpu_sc as plsc

_N_EXPERTS = 8
_TOP_K = 2
_LB_WEIGHT = 0.01
_NEG_BIG = -1e30


def _logits_body(x_ref, gw_ref, lt_ref):
    lt_ref[...] = lax.dot_general(
        gw_ref[...], x_ref[...], (((1,), (1,)), ((), ())),
        preferred_element_type=jnp.float32)


def _make_sc_router(n_tok):
    info = plsc.get_sparse_core_info()
    nc, ns, nl = info.num_cores, info.num_subcores, info.num_lanes
    nw = nc * ns
    tpw = n_tok // nw
    ngrp = tpw // nl
    E = _N_EXPERTS

    mesh = plsc.VectorSubcoreMesh(core_axis_name="c", subcore_axis_name="s")

    def body(lt_hbm, w_hbm, i_hbm, fp_hbm, l_v, w_v, i_v, st_v):
        wid = lax.axis_index("s") * nc + lax.axis_index("c")
        base = wid * tpw
        pltpu.sync_copy(lt_hbm.at[:, pl.ds(base, tpw)], l_v)

        def grp(g, accs):
            ls = [l_v[e, pl.ds(g * nl, nl)] for e in range(E)]
            m1 = ls[0]
            i1 = jnp.zeros((nl,), jnp.int32)
            for e in range(1, E):
                c = ls[e] > m1
                m1 = jnp.where(c, ls[e], m1)
                i1 = jnp.where(c, e, i1)
            m2 = jnp.full((nl,), _NEG_BIG, jnp.float32)
            i2 = jnp.zeros((nl,), jnp.int32)
            for e in range(E):
                c = (i1 != e) & (ls[e] > m2)
                m2 = jnp.where(c, ls[e], m2)
                i2 = jnp.where(c, e, i2)
            r = jnp.exp(m2 - m1)
            w1 = 1.0 / (1.0 + r)
            w2 = r / (1.0 + r)
            w_v[0, pl.ds(g * nl, nl)] = w1
            w_v[1, pl.ds(g * nl, nl)] = w2
            i_v[0, pl.ds(g * nl, nl)] = i1
            i_v[1, pl.ds(g * nl, nl)] = i2
            ts = [jnp.exp(ls[e] - m1) for e in range(E)]
            denom = ts[0]
            for e in range(1, E):
                denom = denom + ts[e]
            inv = 1.0 / denom
            out = []
            for e in range(E):
                out.append(accs[e] + jnp.where((i1 == e) | (i2 == e), 1.0, 0.0))
            for e in range(E):
                out.append(accs[E + e] + ts[e] * inv)
            return tuple(out)

        zero = jnp.zeros((nl,), jnp.float32)
        accs = lax.fori_loop(0, ngrp, grp, tuple([zero] * (2 * E)))
        pltpu.sync_copy(w_v, w_hbm.at[:, pl.ds(base, tpw)])
        pltpu.sync_copy(i_v, i_hbm.at[:, pl.ds(base, tpw)])
        for rix in range(2 * E):
            st_v[rix, :] = accs[rix]
        pltpu.sync_copy(st_v, fp_hbm.at[pl.ds(wid * 2 * E, 2 * E)])

    out_type = [
        jax.ShapeDtypeStruct((_TOP_K, n_tok), jnp.float32),
        jax.ShapeDtypeStruct((_TOP_K, n_tok), jnp.int32),
        jax.ShapeDtypeStruct((nw * 2 * E, nl), jnp.float32),
    ]
    scratch_types = [
        pltpu.VMEM((E, tpw), jnp.float32),
        pltpu.VMEM((_TOP_K, tpw), jnp.float32),
        pltpu.VMEM((_TOP_K, tpw), jnp.int32),
        pltpu.VMEM((2 * E, nl), jnp.float32),
    ]
    return pl.kernel(body, mesh=mesh, out_type=out_type,
                     scratch_types=scratch_types), nw


def _make_aux_body(n_tok, nrow, nl):
    E = _N_EXPERTS

    def aux_body(fp_ref, aux_ref):
        a = fp_ref[...]
        rmod = lax.broadcasted_iota(jnp.int32, (nrow, nl), 0) % (2 * E)
        s = jnp.float32(0.0)
        for e in range(E):
            fs = jnp.sum(jnp.where(rmod == e, a, 0.0))
            ps = jnp.sum(jnp.where(rmod == E + e, a, 0.0))
            s = s + fs * ps
        n = jnp.float32(n_tok)
        aux_ref[...] = (E * _LB_WEIGHT * s / (n * n)).reshape(1, 1)

    return aux_body


def kernel(x, gate_w):
    b, s, d = x.shape
    n_tok = b * s
    xf = x.reshape(n_tok, d)
    blk = 1024
    grid = n_tok // blk

    lt = pl.pallas_call(
        _logits_body,
        grid=(grid,),
        in_specs=[
            pl.BlockSpec((blk, d), lambda i: (i, 0)),
            pl.BlockSpec((_N_EXPERTS, d), lambda i: (0, 0)),
        ],
        out_specs=pl.BlockSpec((_N_EXPERTS, blk), lambda i: (0, i)),
        out_shape=jax.ShapeDtypeStruct((_N_EXPERTS, n_tok), jnp.float32),
    )(xf, gate_w)

    sc_router, nw = _make_sc_router(n_tok)
    w_flat, i_flat, fp = sc_router(lt)

    nrow = nw * 2 * _N_EXPERTS
    nl = fp.shape[1]
    aux = pl.pallas_call(
        _make_aux_body(n_tok, nrow, nl),
        out_shape=jax.ShapeDtypeStruct((1, 1), jnp.float32),
    )(fp)

    top_k_weights = w_flat.T.reshape(b, s, _TOP_K)
    top_k_indices = i_flat.T.reshape(b, s, _TOP_K)
    return (top_k_weights, top_k_indices, aux[0, 0])

# --- scband reference (transcript-rebuilt; emitter-appended) ---
"""Pipeline reference for scband-mo-erouter-28406913695888 (READ-ONLY COPY).

The authoritative reference and input builder live on the scoring server;
editing this copy changes nothing except your own understanding.
"""

import jax, jax.numpy as jnp
import numpy as np

B = 4
S = 8192
D_MODEL = 2048
N_EXPERTS = 8
TOP_K = 2
LOAD_BALANCE_WEIGHT = 0.01


def setup_inputs(seed: int = 0) -> dict:
    key = jax.random.key(seed)
    k1, k2 = jax.random.split(key)
    x = jax.random.normal(k1, (B, S, D_MODEL), dtype=jnp.float32)
    # kaiming_uniform-ish init for gate weight, torch Linear layout [out_features, in_features]
    bound = float(np.sqrt(6.0 / ((1.0 + 0.01 ** 2) * D_MODEL)))
    gate_w = jax.random.uniform(k2, (N_EXPERTS, D_MODEL), dtype=jnp.float32, minval=-bound, maxval=bound)
    return {"x": x, "gate_w": gate_w}


def reference(x, gate_w):
    # eval-mode forward (no exploration noise; noise_weight is zero-init and unused in eval)
    logits = jnp.einsum('bsd,ed->bse', x, gate_w)  # gate(x) with torch Linear weight [E, D]
    top_k_logits, top_k_indices = jax.lax.top_k(logits, TOP_K)
    top_k_weights = jax.nn.softmax(top_k_logits, axis=-1)

    # load balance aux loss
    flat_logits = logits.reshape(-1, N_EXPERTS)
    n_tokens = flat_logits.shape[0]
    _, flat_topk_idx = jax.lax.top_k(flat_logits, TOP_K)
    rows = jnp.arange(n_tokens)[:, None]
    expert_mask = jnp.zeros((n_tokens, N_EXPERTS), dtype=flat_logits.dtype).at[rows, flat_topk_idx].set(1.0)
    f = expert_mask.mean(axis=0)
    probs = jax.nn.softmax(flat_logits, axis=-1)
    P = probs.mean(axis=0)
    aux_loss = N_EXPERTS * jnp.sum(f * P) * LOAD_BALANCE_WEIGHT
    return (top_k_weights, top_k_indices, aux_loss)

if __name__ == "__main__":
    import jax
    _d = setup_inputs()
    print(jax.jit(kernel)(*tuple(_d.values())))

</pallas_src>

<mosaic_0001>
#map = affine_map<(d0, d1) -> (0, 0)>
module attributes {stable_mosaic.version = 14 : i64} {
  func.func @body(%arg0: i32, %arg1: i32, %arg2: memref<8x32768xf32, #tpu.memory_space<hbm>>, %arg3: memref<2x32768xf32, #tpu.memory_space<hbm>>, %arg4: memref<2x32768xi32, #tpu.memory_space<hbm>>, %arg5: memref<512x16xf32, #tpu.memory_space<hbm>>, %arg6: memref<8x1024xf32, #tpu.memory_space<vmem>>, %arg7: memref<2x1024xf32, #tpu.memory_space<vmem>>, %arg8: memref<2x1024xi32, #tpu.memory_space<vmem>>, %arg9: memref<16x16xf32, #tpu.memory_space<vmem>>) attributes {dimension_semantics = [#tpu.dimension_semantics<core_parallel>, #tpu.dimension_semantics<subcore_parallel>], iteration_bounds = array<i64: 2, 16>, scalar_prefetch = 0 : i64, scratch_operands = 4 : i64, tpu.core_type = #tpu.core_type<sc_vector_subcore>, window_params = [{transform_indices = #map}, {transform_indices = #map}, {transform_indices = #map}, {transform_indices = #map}]} {
    %mul3A = arith.constant 2 : i32
    %mul3A_0 = arith.muli %arg1, %mul3A : i32
    %add3A = arith.addi %mul3A_0, %arg0 : i32
    %mul3A_1 = arith.constant 1024 : i32
    %mul3A_2 = arith.muli %add3A, %mul3A_1 : i32
    "tpu.region"() ({
      %run_scoped3A = tpu.sem_alloc : memref<!tpu.dma_semaphore, #tpu.memory_space<semaphore_mem>>
      %dma_start3A = arith.constant 0 : i32
      %dma_start3A_108 = tpu.memref_slice %arg2[%dma_start3A, %mul3A_2] : memref<8x32768xf32, #tpu.memory_space<hbm>> -> memref<8x1024xf32, #tpu.memory_space<hbm>>
      %dma_start3A_109 = arith.constant 0 : i32
      %dma_start3A_110 = tpu.memref_slice %arg2[%dma_start3A_109, %mul3A_2] : memref<8x32768xf32, #tpu.memory_space<hbm>> -> memref<8x1024xf32, #tpu.memory_space<hbm>>
      tpu.enqueue_dma source(%dma_start3A_110 : memref<8x1024xf32, #tpu.memory_space<hbm>>) target(%arg6 : memref<8x1024xf32, #tpu.memory_space<vmem>>) target_semaphore(%run_scoped3A : memref<!tpu.dma_semaphore, #tpu.memory_space<semaphore_mem>>)
      %dma_wait3A = arith.constant 0 : i32
      %dma_wait3A_111 = tpu.memref_slice %arg2[%dma_wait3A, %mul3A_2] : memref<8x32768xf32, #tpu.memory_space<hbm>> -> memref<8x1024xf32, #tpu.memory_space<hbm>>
      %dma_wait3A_112 = arith.constant 0 : i32
      %dma_wait3A_113 = tpu.memref_slice %arg2[%dma_wait3A_112, %mul3A_2] : memref<8x32768xf32, #tpu.memory_space<hbm>> -> memref<8x1024xf32, #tpu.memory_space<hbm>>
      tpu.wait_dma2 semaphore(%run_scoped3A : memref<!tpu.dma_semaphore, #tpu.memory_space<semaphore_mem>>) src(%dma_wait3A_113 : memref<8x1024xf32, #tpu.memory_space<hbm>>) dst(%arg6 : memref<8x1024xf32, #tpu.memory_space<vmem>>)
      tpu.yield
    }) : () -> ()
    %broadcast_in_dim3A = arith.constant 0.000000e+00 : f32
    %broadcast_in_dim3A_3 = vector.broadcast %broadcast_in_dim3A : f32 to vector<16xf32>
    %scan3A = arith.constant 0 : i32
    %scan3A_4 = arith.constant 64 : i32
    %scan3A_5 = arith.addi %scan3A, %scan3A_4 : i32
    %scan3A_6 = arith.constant 1 : i32
    %scan3A_7:16 = scf.for %scan3A_108 = %scan3A to %scan3A_5 step %scan3A_6 iter_args(%scan3A_109 = %broadcast_in_dim3A_3, %scan3A_110 = %broadcast_in_dim3A_3, %scan3A_111 = %broadcast_in_dim3A_3, %scan3A_112 = %broadcast_in_dim3A_3, %scan3A_113 = %broadcast_in_dim3A_3, %scan3A_114 = %broadcast_in_dim3A_3, %scan3A_115 = %broadcast_in_dim3A_3, %scan3A_116 = %broadcast_in_dim3A_3, %scan3A_117 = %broadcast_in_dim3A_3, %scan3A_118 = %broadcast_in_dim3A_3, %scan3A_119 = %broadcast_in_dim3A_3, %scan3A_120 = %broadcast_in_dim3A_3, %scan3A_121 = %broadcast_in_dim3A_3, %scan3A_122 = %broadcast_in_dim3A_3, %scan3A_123 = %broadcast_in_dim3A_3, %scan3A_124 = %broadcast_in_dim3A_3) -> (vector<16xf32>, vector<16xf32>, vector<16xf32>, vector<16xf32>, vector<16xf32>, vector<16xf32>, vector<16xf32>, vector<16xf32>, vector<16xf32>, vector<16xf32>, vector<16xf32>, vector<16xf32>, vector<16xf32>, vector<16xf32>, vector<16xf32>, vector<16xf32>)  : i32 {
      %mul3A_125 = arith.constant 16 : i32
      %mul3A_126 = arith.muli %scan3A_108, %mul3A_125 : i32
      %get3A = arith.constant 0 : i32
      %get3A_127 = arith.index_cast %get3A : i32 to index
      %get3A_128 = arith.index_cast %mul3A_126 : i32 to index
      %get3A_129 = tpu.vector_load %arg6[%get3A_127, %get3A_128] {strides = array<i32>} : memref<8x1024xf32, #tpu.memory_space<vmem>>, vector<1x16xf32>,
      %get3A_130 = vector.shape_cast %get3A_129 : vector<1x16xf32> to vector<16xf32>
      %mul3A_131 = arith.constant 16 : i32
      %mul3A_132 = arith.muli %scan3A_108, %mul3A_131 : i32
      %get3A_133 = arith.constant 1 : i32
      %get3A_134 = arith.index_cast %get3A_133 : i32 to index
      %get3A_135 = arith.index_cast %mul3A_132 : i32 to index
      %get3A_136 = tpu.vector_load %arg6[%get3A_134, %get3A_135] {strides = array<i32>} : memref<8x1024xf32, #tpu.memory_space<vmem>>, vector<1x16xf32>,
      %get3A_137 = vector.shape_cast %get3A_136 : vector<1x16xf32> to vector<16xf32>
      %mul3A_138 = arith.constant 16 : i32
      %mul3A_139 = arith.muli %scan3A_108, %mul3A_138 : i32
      %get3A_140 = arith.constant 2 : i32
      %get3A_141 = arith.index_cast %get3A_140 : i32 to index
      %get3A_142 = arith.index_cast %mul3A_139 : i32 to index
      %get3A_143 = tpu.vector_load %arg6[%get3A_141, %get3A_142] {strides = array<i32>} : memref<8x1024xf32, #tpu.memory_space<vmem>>, vector<1x16xf32>,
      %get3A_144 = vector.shape_cast %get3A_143 : vector<1x16xf32> to vector<16xf32>
      %mul3A_145 = arith.constant 16 : i32
      %mul3A_146 = arith.muli %scan3A_108, %mul3A_145 : i32
      %get3A_147 = arith.constant 3 : i32
      %get3A_148 = arith.index_cast %get3A_147 : i32 to index
      %get3A_149 = arith.index_cast %mul3A_146 : i32 to index
      %get3A_150 = tpu.vector_load %arg6[%get3A_148, %get3A_149] {strides = array<i32>} : memref<8x1024xf32, #tpu.memory_space<vmem>>, vector<1x16xf32>,
      %get3A_151 = vector.shape_cast %get3A_150 : vector<1x16xf32> to vector<16xf32>
      %mul3A_152 = arith.constant 16 : i32
      %mul3A_153 = arith.muli %scan3A_108, %mul3A_152 : i32
      %get3A_154 = arith.constant 4 : i32
      %get3A_155 = arith.index_cast %get3A_154 : i32 to index
      %get3A_156 = arith.index_cast %mul3A_153 : i32 to index
      %get3A_157 = tpu.vector_load %arg6[%get3A_155, %get3A_156] {strides = array<i32>} : memref<8x1024xf32, #tpu.memory_space<vmem>>, vector<1x16xf32>,
      %get3A_158 = vector.shape_cast %get3A_157 : vector<1x16xf32> to vector<16xf32>
      %mul3A_159 = arith.constant 16 : i32
      %mul3A_160 = arith.muli %scan3A_108, %mul3A_159 : i32
      %get3A_161 = arith.constant 5 : i32
      %get3A_162 = arith.index_cast %get3A_161 : i32 to index
      %get3A_163 = arith.index_cast %mul3A_160 : i32 to index
      %get3A_164 = tpu.vector_load %arg6[%get3A_162, %get3A_163] {strides = array<i32>} : memref<8x1024xf32, #tpu.memory_space<vmem>>, vector<1x16xf32>,
      %get3A_165 = vector.shape_cast %get3A_164 : vector<1x16xf32> to vector<16xf32>
      %mul3A_166 = arith.constant 16 : i32
      %mul3A_167 = arith.muli %scan3A_108, %mul3A_166 : i32
      %get3A_168 = arith.constant 6 : i32
      %get3A_169 = arith.index_cast %get3A_168 : i32 to index
      %get3A_170 = arith.index_cast %mul3A_167 : i32 to index
      %get3A_171 = tpu.vector_load %arg6[%get3A_169, %get3A_170] {strides = array<i32>} : memref<8x1024xf32, #tpu.memory_space<vmem>>, vector<1x16xf32>,
      %get3A_172 = vector.shape_cast %get3A_171 : vector<1x16xf32> to vector<16xf32>
      %mul3A_173 = arith.constant 16 : i32
      %mul3A_174 = arith.muli %scan3A_108, %mul3A_173 : i32
      %get3A_175 = arith.constant 7 : i32
      %get3A_176 = arith.index_cast %get3A_175 : i32 to index
      %get3A_177 = arith.index_cast %mul3A_174 : i32 to index
      %get3A_178 = tpu.vector_load %arg6[%get3A_176, %get3A_177] {strides = array<i32>} : memref<8x1024xf32, #tpu.memory_space<vmem>>, vector<1x16xf32>,
      %get3A_179 = vector.shape_cast %get3A_178 : vector<1x16xf32> to vector<16xf32>
      %broadcast_in_dim3A_180 = arith.constant 0 : i32
      %broadcast_in_dim3A_181 = vector.broadcast %broadcast_in_dim3A_180 : i32 to vector<16xi32>
      %gt3A = arith.cmpf ogt, %get3A_137, %get3A_130 : vector<16xf32>
      %select_n3A = arith.select %gt3A, %get3A_137, %get3A_130 : vector<16xi1>, vector<16xf32>
      %jit3A = arith.constant 1 : i32
      %broadcast_in_dim3A_182 = vector.broadcast %jit3A : i32 to vector<16xi32>
      %select_n3A_183 = arith.select %gt3A, %broadcast_in_dim3A_182, %broadcast_in_dim3A_181 : vector<16xi1>, vector<16xi32>
      %gt3A_184 = arith.cmpf ogt, %get3A_144, %select_n3A : vector<16xf32>
      %select_n3A_185 = arith.select %gt3A_184, %get3A_144, %select_n3A : vector<16xi1>, vector<16xf32>
      %jit3A_186 = arith.constant 2 : i32
      %broadcast_in_dim3A_187 = vector.broadcast %jit3A_186 : i32 to vector<16xi32>
      %select_n3A_188 = arith.select %gt3A_184, %broadcast_in_dim3A_187, %select_n3A_183 : vector<16xi1>, vector<16xi32>
      %gt3A_189 = arith.cmpf ogt, %get3A_151, %select_n3A_185 : vector<16xf32>
      %select_n3A_190 = arith.select %gt3A_189, %get3A_151, %select_n3A_185 : vector<16xi1>, vector<16xf32>
      %jit3A_191 = arith.constant 3 : i32
      %broadcast_in_dim3A_192 = vector.broadcast %jit3A_191 : i32 to vector<16xi32>
      %select_n3A_193 = arith.select %gt3A_189, %broadcast_in_dim3A_192, %select_n3A_188 : vector<16xi1>, vector<16xi32>
      %gt3A_194 = arith.cmpf ogt, %get3A_158, %select_n3A_190 : vector<16xf32>
      %select_n3A_195 = arith.select %gt3A_194, %get3A_158, %select_n3A_190 : vector<16xi1>, vector<16xf32>
      %jit3A_196 = arith.constant 4 : i32
      %broadcast_in_dim3A_197 = vector.broadcast %jit3A_196 : i32 to vector<16xi32>
      %select_n3A_198 = arith.select %gt3A_194, %broadcast_in_dim3A_197, %select_n3A_193 : vector<16xi1>, vector<16xi32>
      %gt3A_199 = arith.cmpf ogt, %get3A_165, %select_n3A_195 : vector<16xf32>
      %select_n3A_200 = arith.select %gt3A_199, %get3A_165, %select_n3A_195 : vector<16xi1>, vector<16xf32>
      %jit3A_201 = arith.constant 5 : i32
      %broadcast_in_dim3A_202 = vector.broadcast %jit3A_201 : i32 to vector<16xi32>
      %select_n3A_203 = arith.select %gt3A_199, %broadcast_in_dim3A_202, %select_n3A_198 : vector<16xi1>, vector<16xi32>
      %gt3A_204 = arith.cmpf ogt, %get3A_172, %select_n3A_200 : vector<16xf32>
      %select_n3A_205 = arith.select %gt3A_204, %get3A_172, %select_n3A_200 : vector<16xi1>, vector<16xf32>
      %jit3A_206 = arith.constant 6 : i32
      %broadcast_in_dim3A_207 = vector.broadcast %jit3A_206 : i32 to vector<16xi32>
      %select_n3A_208 = arith.select %gt3A_204, %broadcast_in_dim3A_207, %select_n3A_203 : vector<16xi1>, vector<16xi32>
      %gt3A_209 = arith.cmpf ogt, %get3A_179, %select_n3A_205 : vector<16xf32>
      %select_n3A_210 = arith.select %gt3A_209, %get3A_179, %select_n3A_205 : vector<16xi1>, vector<16xf32>
      %jit3A_211 = arith.constant 7 : i32
      %broadcast_in_dim3A_212 = vector.broadcast %jit3A_211 : i32 to vector<16xi32>
      %select_n3A_213 = arith.select %gt3A_209, %broadcast_in_dim3A_212, %select_n3A_208 : vector<16xi1>, vector<16xi32>
      %broadcast_in_dim3A_214 = arith.constant -1.000000e+30 : f32
      %broadcast_in_dim3A_215 = vector.broadcast %broadcast_in_dim3A_214 : f32 to vector<16xf32>
      %broadcast_in_dim3A_216 = arith.constant 0 : i32
      %broadcast_in_dim3A_217 = vector.broadcast %broadcast_in_dim3A_216 : i32 to vector<16xi32>
      %ne3A = arith.constant 0 : i32
      %ne3A_218 = vector.broadcast %ne3A : i32 to vector<16xi32>
      %ne3A_219 = arith.cmpi ne, %select_n3A_213, %ne3A_218 : vector<16xi32>
      %gt3A_220 = arith.cmpf ogt, %get3A_130, %broadcast_in_dim3A_215 : vector<16xf32>
      %and3A = arith.andi %ne3A_219, %gt3A_220 : vector<16xi1>
      %select_n3A_221 = arith.select %and3A, %get3A_130, %broadcast_in_dim3A_215 : vector<16xi1>, vector<16xf32>
      %jit3A_222 = arith.constant 0 : i32
      %broadcast_in_dim3A_223 = vector.broadcast %jit3A_222 : i32 to vector<16xi32>
      %select_n3A_224 = arith.select %and3A, %broadcast_in_dim3A_223, %broadcast_in_dim3A_217 : vector<16xi1>, vector<16xi32>
      %ne3A_225 = arith.constant 1 : i32
      %ne3A_226 = vector.broadcast %ne3A_225 : i32 to vector<16xi32>
      %ne3A_227 = arith.cmpi ne, %select_n3A_213, %ne3A_226 : vector<16xi32>
      %gt3A_228 = arith.cmpf ogt, %get3A_137, %select_n3A_221 : vector<16xf32>
      %and3A_229 = arith.andi %ne3A_227, %gt3A_228 : vector<16xi1>
      %select_n3A_230 = arith.select %and3A_229, %get3A_137, %select_n3A_221 : vector<16xi1>, vector<16xf32>
      %jit3A_231 = arith.constant 1 : i32
      %broadcast_in_dim3A_232 = vector.broadcast %jit3A_231 : i32 to vector<16xi32>
      %select_n3A_233 = arith.select %and3A_229, %broadcast_in_dim3A_232, %select_n3A_224 : vector<16xi1>, vector<16xi32>
      %ne3A_234 = arith.constant 2 : i32
      %ne3A_235 = vector.broadcast %ne3A_234 : i32 to vector<16xi32>
      %ne3A_236 = arith.cmpi ne, %select_n3A_213, %ne3A_235 : vector<16xi32>
      %gt3A_237 = arith.cmpf ogt, %get3A_144, %select_n3A_230 : vector<16xf32>
      %and3A_238 = arith.andi %ne3A_236, %gt3A_237 : vector<16xi1>
      %select_n3A_239 = arith.select %and3A_238, %get3A_144, %select_n3A_230 : vector<16xi1>, vector<16xf32>
      %jit3A_240 = arith.constant 2 : i32
      %broadcast_in_dim3A_241 = vector.broadcast %jit3A_240 : i32 to vector<16xi32>
      %select_n3A_242 = arith.select %and3A_238, %broadcast_in_dim3A_241, %select_n3A_233 : vector<16xi1>, vector<16xi32>
      %ne3A_243 = arith.constant 3 : i32
      %ne3A_244 = vector.broadcast %ne3A_243 : i32 to vector<16xi32>
      %ne3A_245 = arith.cmpi ne, %select_n3A_213, %ne3A_244 : vector<16xi32>
      %gt3A_246 = arith.cmpf ogt, %get3A_151, %select_n3A_239 : vector<16xf32>
      %and3A_247 = arith.andi %ne3A_245, %gt3A_246 : vector<16xi1>
      %select_n3A_248 = arith.select %and3A_247, %get3A_151, %select_n3A_239 : vector<16xi1>, vector<16xf32>
      %jit3A_249 = arith.constant 3 : i32
      %broadcast_in_dim3A_250 = vector.broadcast %jit3A_249 : i32 to vector<16xi32>
      %select_n3A_251 = arith.select %and3A_247, %broadcast_in_dim3A_250, %select_n3A_242 : vector<16xi1>, vector<16xi32>
      %ne3A_252 = arith.constant 4 : i32
      %ne3A_253 = vector.broadcast %ne3A_252 : i32 to vector<16xi32>
      %ne3A_254 = arith.cmpi ne, %select_n3A_213, %ne3A_253 : vector<16xi32>
      %gt3A_255 = arith.cmpf ogt, %get3A_158, %select_n3A_248 : vector<16xf32>
      %and3A_256 = arith.andi %ne3A_254, %gt3A_255 : vector<16xi1>
      %select_n3A_257 = arith.select %and3A_256, %get3A_158, %select_n3A_248 : vector<16xi1>, vector<16xf32>
      %jit3A_258 = arith.constant 4 : i32
      %broadcast_in_dim3A_259 = vector.broadcast %jit3A_258 : i32 to vector<16xi32>
      %select_n3A_260 = arith.select %and3A_256, %broadcast_in_dim3A_259, %select_n3A_251 : vector<16xi1>, vector<16xi32>
      %ne3A_261 = arith.constant 5 : i32
      %ne3A_262 = vector.broadcast %ne3A_261 : i32 to vector<16xi32>
      %ne3A_263 = arith.cmpi ne, %select_n3A_213, %ne3A_262 : vector<16xi32>
      %gt3A_264 = arith.cmpf ogt, %get3A_165, %select_n3A_257 : vector<16xf32>
      %and3A_265 = arith.andi %ne3A_263, %gt3A_264 : vector<16xi1>
      %select_n3A_266 = arith.select %and3A_265, %get3A_165, %select_n3A_257 : vector<16xi1>, vector<16xf32>
      %jit3A_267 = arith.constant 5 : i32
      %broadcast_in_dim3A_268 = vector.broadcast %jit3A_267 : i32 to vector<16xi32>
      %select_n3A_269 = arith.select %and3A_265, %broadcast_in_dim3A_268, %select_n3A_260 : vector<16xi1>, vector<16xi32>
      %ne3A_270 = arith.constant 6 : i32
      %ne3A_271 = vector.broadcast %ne3A_270 : i32 to vector<16xi32>
      %ne3A_272 = arith.cmpi ne, %select_n3A_213, %ne3A_271 : vector<16xi32>
      %gt3A_273 = arith.cmpf ogt, %get3A_172, %select_n3A_266 : vector<16xf32>
      %and3A_274 = arith.andi %ne3A_272, %gt3A_273 : vector<16xi1>
      %select_n3A_275 = arith.select %and3A_274, %get3A_172, %select_n3A_266 : vector<16xi1>, vector<16xf32>
      %jit3A_276 = arith.constant 6 : i32
      %broadcast_in_dim3A_277 = vector.broadcast %jit3A_276 : i32 to vector<16xi32>
      %select_n3A_278 = arith.select %and3A_274, %broadcast_in_dim3A_277, %select_n3A_269 : vector<16xi1>, vector<16xi32>
      %ne3A_279 = arith.constant 7 : i32
      %ne3A_280 = vector.broadcast %ne3A_279 : i32 to vector<16xi32>
      %ne3A_281 = arith.cmpi ne, %select_n3A_213, %ne3A_280 : vector<16xi32>
      %gt3A_282 = arith.cmpf ogt, %get3A_179, %select_n3A_275 : vector<16xf32>
      %and3A_283 = arith.andi %ne3A_281, %gt3A_282 : vector<16xi1>
      %select_n3A_284 = arith.select %and3A_283, %get3A_179, %select_n3A_275 : vector<16xi1>, vector<16xf32>
      %jit3A_285 = arith.constant 7 : i32
      %broadcast_in_dim3A_286 = vector.broadcast %jit3A_285 : i32 to vector<16xi32>
      %select_n3A_287 = arith.select %and3A_283, %broadcast_in_dim3A_286, %select_n3A_278 : vector<16xi1>, vector<16xi32>
      %sub3A = arith.subf %select_n3A_284, %select_n3A_210 : vector<16xf32>
      %exp3A = math.exp %sub3A : vector<16xf32>
      %add3A_288 = arith.constant 1.000000e+00 : f32
      %add3A_289 = vector.broadcast %add3A_288 : f32 to vector<16xf32>
      %add3A_290 = arith.addf %add3A_289, %exp3A : vector<16xf32>
      %div3A = arith.constant 1.000000e+00 : f32
      %div3A_291 = vector.broadcast %div3A : f32 to vector<16xf32>
      %div3A_292 = arith.divf %div3A_291, %add3A_290 : vector<16xf32>
      %add3A_293 = arith.constant 1.000000e+00 : f32
      %add3A_294 = vector.broadcast %add3A_293 : f32 to vector<16xf32>
      %add3A_295 = arith.addf %add3A_294, %exp3A : vector<16xf32>
      %div3A_296 = arith.divf %exp3A, %add3A_295 : vector<16xf32>
      %mul3A_297 = arith.constant 16 : i32
      %mul3A_298 = arith.muli %scan3A_108, %mul3A_297 : i32
      %swap3A_299 = arith.constant 0 : i32
      %swap3A_300 = arith.index_cast %swap3A_299 : i32 to index
      %swap3A_301 = arith.index_cast %mul3A_298 : i32 to index
      %swap3A_302 = tpu.vector_load %arg7[%swap3A_300, %swap3A_301] {strides = array<i32>} : memref<2x1024xf32, #tpu.memory_space<vmem>>, vector<1x16xf32>,
      %swap3A_303 = vector.shape_cast %swap3A_302 : vector<1x16xf32> to vector<16xf32>
      %swap3A_304 = vector.shape_cast %div3A_292 : vector<16xf32> to vector<1x16xf32>
      tpu.vector_store %arg7[%swap3A_300, %swap3A_301], %swap3A_304 {strides = array<i32>} : memref<2x1024xf32, #tpu.memory_space<vmem>>, vector<1x16xf32>,
      %mul3A_305 = arith.constant 16 : i32
      %mul3A_306 = arith.muli %scan3A_108, %mul3A_305 : i32
      %swap3A_307 = arith.constant 1 : i32
      %swap3A_308 = arith.index_cast %swap3A_307 : i32 to index
      %swap3A_309 = arith.index_cast %mul3A_306 : i32 to index
      %swap3A_310 = tpu.vector_load %arg7[%swap3A_308, %swap3A_309] {strides = array<i32>} : memref<2x1024xf32, #tpu.memory_space<vmem>>, vector<1x16xf32>,
      %swap3A_311 = vector.shape_cast %swap3A_310 : vector<1x16xf32> to vector<16xf32>
      %swap3A_312 = vector.shape_cast %div3A_296 : vector<16xf32> to vector<1x16xf32>
      tpu.vector_store %arg7[%swap3A_308, %swap3A_309], %swap3A_312 {strides = array<i32>} : memref<2x1024xf32, #tpu.memory_space<vmem>>, vector<1x16xf32>,
      %mul3A_313 = arith.constant 16 : i32
      %mul3A_314 = arith.muli %scan3A_108, %mul3A_313 : i32
      %swap3A_315 = arith.constant 0 : i32
      %swap3A_316 = arith.index_cast %swap3A_315 : i32 to index
      %swap3A_317 = arith.index_cast %mul3A_314 : i32 to index
      %swap3A_318 = tpu.vector_load %arg8[%swap3A_316, %swap3A_317] {strides = array<i32>} : memref<2x1024xi32, #tpu.memory_space<vmem>>, vector<1x16xi32>,
      %swap3A_319 = vector.shape_cast %swap3A_318 : vector<1x16xi32> to vector<16xi32>
      %swap3A_320 = vector.shape_cast %select_n3A_213 : vector<16xi32> to vector<1x16xi32>
      tpu.vector_store %arg8[%swap3A_316, %swap3A_317], %swap3A_320 {strides = array<i32>} : memref<2x1024xi32, #tpu.memory_space<vmem>>, vector<1x16xi32>,
      %mul3A_321 = arith.constant 16 : i32
      %mul3A_322 = arith.muli %scan3A_108, %mul3A_321 : i32
      %swap3A_323 = arith.constant 1 : i32
      %swap3A_324 = arith.index_cast %swap3A_323 : i32 to index
      %swap3A_325 = arith.index_cast %mul3A_322 : i32 to index
      %swap3A_326 = tpu.vector_load %arg8[%swap3A_324, %swap3A_325] {strides = array<i32>} : memref<2x1024xi32, #tpu.memory_space<vmem>>, vector<1x16xi32>,
      %swap3A_327 = vector.shape_cast %swap3A_326 : vector<1x16xi32> to vector<16xi32>
      %swap3A_328 = vector.shape_cast %select_n3A_287 : vector<16xi32> to vector<1x16xi32>
      tpu.vector_store %arg8[%swap3A_324, %swap3A_325], %swap3A_328 {strides = array<i32>} : memref<2x1024xi32, #tpu.memory_space<vmem>>, vector<1x16xi32>,
      %sub3A_329 = arith.subf %get3A_130, %select_n3A_210 : vector<16xf32>
      %exp3A_330 = math.exp %sub3A_329 : vector<16xf32>
      %sub3A_331 = arith.subf %get3A_137, %select_n3A_210 : vector<16xf32>
      %exp3A_332 = math.exp %sub3A_331 : vector<16xf32>
      %sub3A_333 = arith.subf %get3A_144, %select_n3A_210 : vector<16xf32>
      %exp3A_334 = math.exp %sub3A_333 : vector<16xf32>
      %sub3A_335 = arith.subf %get3A_151, %select_n3A_210 : vector<16xf32>
      %exp3A_336 = math.exp %sub3A_335 : vector<16xf32>
      %sub3A_337 = arith.subf %get3A_158, %select_n3A_210 : vector<16xf32>
      %exp3A_338 = math.exp %sub3A_337 : vector<16xf32>
      %sub3A_339 = arith.subf %get3A_165, %select_n3A_210 : vector<16xf32>
      %exp3A_340 = math.exp %sub3A_339 : vector<16xf32>
      %sub3A_341 = arith.subf %get3A_172, %select_n3A_210 : vector<16xf32>
      %exp3A_342 = math.exp %sub3A_341 : vector<16xf32>
      %sub3A_343 = arith.subf %get3A_179, %select_n3A_210 : vector<16xf32>
      %exp3A_344 = math.exp %sub3A_343 : vector<16xf32>
      %add3A_345 = arith.addf %exp3A_330, %exp3A_332 : vector<16xf32>
      %add3A_346 = arith.addf %add3A_345, %exp3A_334 : vector<16xf32>
      %add3A_347 = arith.addf %add3A_346, %exp3A_336 : vector<16xf32>
      %add3A_348 = arith.addf %add3A_347, %exp3A_338 : vector<16xf32>
      %add3A_349 = arith.addf %add3A_348, %exp3A_340 : vector<16xf32>
      %add3A_350 = arith.addf %add3A_349, %exp3A_342 : vector<16xf32>
      %add3A_351 = arith.addf %add3A_350, %exp3A_344 : vector<16xf32>
      %div3A_352 = arith.constant 1.000000e+00 : f32
      %div3A_353 = vector.broadcast %div3A_352 : f32 to vector<16xf32>
      %div3A_354 = arith.divf %div3A_353, %add3A_351 : vector<16xf32>
      %eq3A = arith.constant 0 : i32
      %eq3A_355 = vector.broadcast %eq3A : i32 to vector<16xi32>
      %eq3A_356 = arith.cmpi eq, %select_n3A_213, %eq3A_355 : vector<16xi32>
      %eq3A_357 = arith.constant 0 : i32
      %eq3A_358 = vector.broadcast %eq3A_357 : i32 to vector<16xi32>
      %eq3A_359 = arith.cmpi eq, %select_n3A_287, %eq3A_358 : vector<16xi32>
      %or3A = arith.ori %eq3A_356, %eq3A_359 : vector<16xi1>
      %jit3A_360 = arith.constant 1.000000e+00 : f32
      %jit3A_361 = arith.constant 0.000000e+00 : f32
      %broadcast_in_dim3A_362 = vector.broadcast %jit3A_360 : f32 to vector<16xf32>
      %broadcast_in_dim3A_363 = vector.broadcast %jit3A_361 : f32 to vector<16xf32>
      %select_n3A_364 = arith.select %or3A, %broadcast_in_dim3A_362, %broadcast_in_dim3A_363 : vector<16xi1>, vector<16xf32>
      %add3A_365 = arith.addf %scan3A_109, %select_n3A_364 : vector<16xf32>
      %eq3A_366 = arith.constant 1 : i32
      %eq3A_367 = vector.broadcast %eq3A_366 : i32 to vector<16xi32>
      %eq3A_368 = arith.cmpi eq, %select_n3A_213, %eq3A_367 : vector<16xi32>
      %eq3A_369 = arith.constant 1 : i32
      %eq3A_370 = vector.broadcast %eq3A_369 : i32 to vector<16xi32>
      %eq3A_371 = arith.cmpi eq, %select_n3A_287, %eq3A_370 : vector<16xi32>
      %or3A_372 = arith.ori %eq3A_368, %eq3A_371 : vector<16xi1>
      %jit3A_373 = arith.constant 1.000000e+00 : f32
      %jit3A_374 = arith.constant 0.000000e+00 : f32
      %broadcast_in_dim3A_375 = vector.broadcast %jit3A_373 : f32 to vector<16xf32>
      %broadcast_in_dim3A_376 = vector.broadcast %jit3A_374 : f32 to vector<16xf32>
      %select_n3A_377 = arith.select %or3A_372, %broadcast_in_dim3A_375, %broadcast_in_dim3A_376 : vector<16xi1>, vector<16xf32>
      %add3A_378 = arith.addf %scan3A_110, %select_n3A_377 : vector<16xf32>
      %eq3A_379 = arith.constant 2 : i32
      %eq3A_380 = vector.broadcast %eq3A_379 : i32 to vector<16xi32>
      %eq3A_381 = arith.cmpi eq, %select_n3A_213, %eq3A_380 : vector<16xi32>
      %eq3A_382 = arith.constant 2 : i32
      %eq3A_383 = vector.broadcast %eq3A_382 : i32 to vector<16xi32>
      %eq3A_384 = arith.cmpi eq, %select_n3A_287, %eq3A_383 : vector<16xi32>
      %or3A_385 = arith.ori %eq3A_381, %eq3A_384 : vector<16xi1>
      %jit3A_386 = arith.constant 1.000000e+00 : f32
      %jit3A_387 = arith.constant 0.000000e+00 : f32
      %broadcast_in_dim3A_388 = vector.broadcast %jit3A_386 : f32 to vector<16xf32>
      %broadcast_in_dim3A_389 = vector.broadcast %jit3A_387 : f32 to vector<16xf32>
      %select_n3A_390 = arith.select %or3A_385, %broadcast_in_dim3A_388, %broadcast_in_dim3A_389 : vector<16xi1>, vector<16xf32>
      %add3A_391 = arith.addf %scan3A_111, %select_n3A_390 : vector<16xf32>
      %eq3A_392 = arith.constant 3 : i32
      %eq3A_393 = vector.broadcast %eq3A_392 : i32 to vector<16xi32>
      %eq3A_394 = arith.cmpi eq, %select_n3A_213, %eq3A_393 : vector<16xi32>
      %eq3A_395 = arith.constant 3 : i32
      %eq3A_396 = vector.broadcast %eq3A_395 : i32 to vector<16xi32>
      %eq3A_397 = arith.cmpi eq, %select_n3A_287, %eq3A_396 : vector<16xi32>
      %or3A_398 = arith.ori %eq3A_394, %eq3A_397 : vector<16xi1>
      %jit3A_399 = arith.constant 1.000000e+00 : f32
      %jit3A_400 = arith.constant 0.000000e+00 : f32
      %broadcast_in_dim3A_401 = vector.broadcast %jit3A_399 : f32 to vector<16xf32>
      %broadcast_in_dim3A_402 = vector.broadcast %jit3A_400 : f32 to vector<16xf32>
      %select_n3A_403 = arith.select %or3A_398, %broadcast_in_dim3A_401, %broadcast_in_dim3A_402 : vector<16xi1>, vector<16xf32>
      %add3A_404 = arith.addf %scan3A_112, %select_n3A_403 : vector<16xf32>
      %eq3A_405 = arith.constant 4 : i32
      %eq3A_406 = vector.broadcast %eq3A_405 : i32 to vector<16xi32>
      %eq3A_407 = arith.cmpi eq, %select_n3A_213, %eq3A_406 : vector<16xi32>
      %eq3A_408 = arith.constant 4 : i32
      %eq3A_409 = vector.broadcast %eq3A_408 : i32 to vector<16xi32>
      %eq3A_410 = arith.cmpi eq, %select_n3A_287, %eq3A_409 : vector<16xi32>
      %or3A_411 = arith.ori %eq3A_407, %eq3A_410 : vector<16xi1>
      %jit3A_412 = arith.constant 1.000000e+00 : f32
      %jit3A_413 = arith.constant 0.000000e+00 : f32
      %broadcast_in_dim3A_414 = vector.broadcast %jit3A_412 : f32 to vector<16xf32>
      %broadcast_in_dim3A_415 = vector.broadcast %jit3A_413 : f32 to vector<16xf32>
      %select_n3A_416 = arith.select %or3A_411, %broadcast_in_dim3A_414, %broadcast_in_dim3A_415 : vector<16xi1>, vector<16xf32>
      %add3A_417 = arith.addf %scan3A_113, %select_n3A_416 : vector<16xf32>
      %eq3A_418 = arith.constant 5 : i32
      %eq3A_419 = vector.broadcast %eq3A_418 : i32 to vector<16xi32>
      %eq3A_420 = arith.cmpi eq, %select_n3A_213, %eq3A_419 : vector<16xi32>
      %eq3A_421 = arith.constant 5 : i32
      %eq3A_422 = vector.broadcast %eq3A_421 : i32 to vector<16xi32>
      %eq3A_423 = arith.cmpi eq, %select_n3A_287, %eq3A_422 : vector<16xi32>
      %or3A_424 = arith.ori %eq3A_420, %eq3A_423 : vector<16xi1>
      %jit3A_425 = arith.constant 1.000000e+00 : f32
      %jit3A_426 = arith.constant 0.000000e+00 : f32
      %broadcast_in_dim3A_427 = vector.broadcast %jit3A_425 : f32 to vector<16xf32>
      %broadcast_in_dim3A_428 = vector.broadcast %jit3A_426 : f32 to vector<16xf32>
      %select_n3A_429 = arith.select %or3A_424, %broadcast_in_dim3A_427, %broadcast_in_dim3A_428 : vector<16xi1>, vector<16xf32>
      %add3A_430 = arith.addf %scan3A_114, %select_n3A_429 : vector<16xf32>
      %eq3A_431 = arith.constant 6 : i32
      %eq3A_432 = vector.broadcast %eq3A_431 : i32 to vector<16xi32>
      %eq3A_433 = arith.cmpi eq, %select_n3A_213, %eq3A_432 : vector<16xi32>
      %eq3A_434 = arith.constant 6 : i32
      %eq3A_435 = vector.broadcast %eq3A_434 : i32 to vector<16xi32>
      %eq3A_436 = arith.cmpi eq, %select_n3A_287, %eq3A_435 : vector<16xi32>
      %or3A_437 = arith.ori %eq3A_433, %eq3A_436 : vector<16xi1>
      %jit3A_438 = arith.constant 1.000000e+00 : f32
      %jit3A_439 = arith.constant 0.000000e+00 : f32
      %broadcast_in_dim3A_440 = vector.broadcast %jit3A_438 : f32 to vector<16xf32>
      %broadcast_in_dim3A_441 = vector.broadcast %jit3A_439 : f32 to vector<16xf32>
      %select_n3A_442 = arith.select %or3A_437, %broadcast_in_dim3A_440, %broadcast_in_dim3A_441 : vector<16xi1>, vector<16xf32>
      %add3A_443 = arith.addf %scan3A_115, %select_n3A_442 : vector<16xf32>
      %eq3A_444 = arith.constant 7 : i32
      %eq3A_445 = vector.broadcast %eq3A_444 : i32 to vector<16xi32>
      %eq3A_446 = arith.cmpi eq, %select_n3A_213, %eq3A_445 : vector<16xi32>
      %eq3A_447 = arith.constant 7 : i32
      %eq3A_448 = vector.broadcast %eq3A_447 : i32 to vector<16xi32>
      %eq3A_449 = arith.cmpi eq, %select_n3A_287, %eq3A_448 : vector<16xi32>
      %or3A_450 = arith.ori %eq3A_446, %eq3A_449 : vector<16xi1>
      %jit3A_451 = arith.constant 1.000000e+00 : f32
      %jit3A_452 = arith.constant 0.000000e+00 : f32
      %broadcast_in_dim3A_453 = vector.broadcast %jit3A_451 : f32 to vector<16xf32>
      %broadcast_in_dim3A_454 = vector.broadcast %jit3A_452 : f32 to vector<16xf32>
      %select_n3A_455 = arith.select %or3A_450, %broadcast_in_dim3A_453, %broadcast_in_dim3A_454 : vector<16xi1>, vector<16xf32>
      %add3A_456 = arith.addf %scan3A_116, %select_n3A_455 : vector<16xf32>
      %mul3A_457 = arith.mulf %exp3A_330, %div3A_354 : vector<16xf32>
      %add3A_458 = arith.addf %scan3A_117, %mul3A_457 : vector<16xf32>
      %mul3A_459 = arith.mulf %exp3A_332, %div3A_354 : vector<16xf32>
      %add3A_460 = arith.addf %scan3A_118, %mul3A_459 : vector<16xf32>
      %mul3A_461 = arith.mulf %exp3A_334, %div3A_354 : vector<16xf32>
      %add3A_462 = arith.addf %scan3A_119, %mul3A_461 : vector<16xf32>
      %mul3A_463 = arith.mulf %exp3A_336, %div3A_354 : vector<16xf32>
      %add3A_464 = arith.addf %scan3A_120, %mul3A_463 : vector<16xf32>
      %mul3A_465 = arith.mulf %exp3A_338, %div3A_354 : vector<16xf32>
      %add3A_466 = arith.addf %scan3A_121, %mul3A_465 : vector<16xf32>
      %mul3A_467 = arith.mulf %exp3A_340, %div3A_354 : vector<16xf32>
      %add3A_468 = arith.addf %scan3A_122, %mul3A_467 : vector<16xf32>
      %mul3A_469 = arith.mulf %exp3A_342, %div3A_354 : vector<16xf32>
      %add3A_470 = arith.addf %scan3A_123, %mul3A_469 : vector<16xf32>
      %mul3A_471 = arith.mulf %exp3A_344, %div3A_354 : vector<16xf32>
      %add3A_472 = arith.addf %scan3A_124, %mul3A_471 : vector<16xf32>
      scf.yield %add3A_365, %add3A_378, %add3A_391, %add3A_404, %add3A_417, %add3A_430, %add3A_443, %add3A_456, %add3A_458, %add3A_460, %add3A_462, %add3A_464, %add3A_466, %add3A_468, %add3A_470, %add3A_472 : vector<16xf32>, vector<16xf32>, vector<16xf32>, vector<16xf32>, vector<16xf32>, vector<16xf32>, vector<16xf32>, vector<16xf32>, vector<16xf32>, vector<16xf32>, vector<16xf32>, vector<16xf32>, vector<16xf32>, vector<16xf32>, vector<16xf32>, vector<16xf32>
    }
    %scan3A_8 = arith.constant 64 : i32
    "tpu.region"() ({
      %run_scoped3A = tpu.sem_alloc : memref<!tpu.dma_semaphore, #tpu.memory_space<semaphore_mem>>
      %dma_start3A = arith.constant 0 : i32
      %dma_start3A_108 = tpu.memref_slice %arg3[%dma_start3A, %mul3A_2] : memref<2x32768xf32, #tpu.memory_space<hbm>> -> memref<2x1024xf32, #tpu.memory_space<hbm>>
      %dma_start3A_109 = arith.constant 0 : i32
      %dma_start3A_110 = tpu.memref_slice %arg3[%dma_start3A_109, %mul3A_2] : memref<2x32768xf32, #tpu.memory_space<hbm>> -> memref<2x1024xf32, #tpu.memory_space<hbm>>
      tpu.enqueue_dma source(%arg7 : memref<2x1024xf32, #tpu.memory_space<vmem>>) target(%dma_start3A_110 : memref<2x1024xf32, #tpu.memory_space<hbm>>) target_semaphore(%run_scoped3A : memref<!tpu.dma_semaphore, #tpu.memory_space<semaphore_mem>>)
      %dma_wait3A = arith.constant 0 : i32
      %dma_wait3A_111 = tpu.memref_slice %arg3[%dma_wait3A, %mul3A_2] : memref<2x32768xf32, #tpu.memory_space<hbm>> -> memref<2x1024xf32, #tpu.memory_space<hbm>>
      %dma_wait3A_112 = arith.constant 0 : i32
      %dma_wait3A_113 = tpu.memref_slice %arg3[%dma_wait3A_112, %mul3A_2] : memref<2x32768xf32, #tpu.memory_space<hbm>> -> memref<2x1024xf32, #tpu.memory_space<hbm>>
      tpu.wait_dma2 semaphore(%run_scoped3A : memref<!tpu.dma_semaphore, #tpu.memory_space<semaphore_mem>>) src(%arg7 : memref<2x1024xf32, #tpu.memory_space<vmem>>) dst(%dma_wait3A_113 : memref<2x1024xf32, #tpu.memory_space<hbm>>)
      tpu.yield
    }) : () -> ()
    "tpu.region"() ({
      %run_scoped3A = tpu.sem_alloc : memref<!tpu.dma_semaphore, #tpu.memory_space<semaphore_mem>>
      %dma_start3A = arith.constant 0 : i32
      %dma_start3A_108 = tpu.memref_slice %arg4[%dma_start3A, %mul3A_2] : memref<2x32768xi32, #tpu.memory_space<hbm>> -> memref<2x1024xi32, #tpu.memory_space<hbm>>
      %dma_start3A_109 = arith.constant 0 : i32
      %dma_start3A_110 = tpu.memref_slice %arg4[%dma_start3A_109, %mul3A_2] : memref<2x32768xi32, #tpu.memory_space<hbm>> -> memref<2x1024xi32, #tpu.memory_space<hbm>>
      tpu.enqueue_dma source(%arg8 : memref<2x1024xi32, #tpu.memory_space<vmem>>) target(%dma_start3A_110 : memref<2x1024xi32, #tpu.memory_space<hbm>>) target_semaphore(%run_scoped3A : memref<!tpu.dma_semaphore, #tpu.memory_space<semaphore_mem>>)
      %dma_wait3A = arith.constant 0 : i32
      %dma_wait3A_111 = tpu.memref_slice %arg4[%dma_wait3A, %mul3A_2] : memref<2x32768xi32, #tpu.memory_space<hbm>> -> memref<2x1024xi32, #tpu.memory_space<hbm>>
      %dma_wait3A_112 = arith.constant 0 : i32
      %dma_wait3A_113 = tpu.memref_slice %arg4[%dma_wait3A_112, %mul3A_2] : memref<2x32768xi32, #tpu.memory_space<hbm>> -> memref<2x1024xi32, #tpu.memory_space<hbm>>
      tpu.wait_dma2 semaphore(%run_scoped3A : memref<!tpu.dma_semaphore, #tpu.memory_space<semaphore_mem>>) src(%arg8 : memref<2x1024xi32, #tpu.memory_space<vmem>>) dst(%dma_wait3A_113 : memref<2x1024xi32, #tpu.memory_space<hbm>>)
      tpu.yield
    }) : () -> ()
    %swap3A = arith.constant 0 : i32
    %swap3A_9 = arith.index_cast %swap3A : i32 to index
    %swap3A_10 = arith.constant 0 : index
    %swap3A_11 = tpu.vector_load %arg9[%swap3A_9, %swap3A_10] {strides = array<i32>} : memref<16x16xf32, #tpu.memory_space<vmem>>, vector<1x16xf32>,
    %swap3A_12 = vector.shape_cast %swap3A_11 : vector<1x16xf32> to vector<16xf32>
    %swap3A_13 = vector.shape_cast %scan3A_7#0 : vector<16xf32> to vector<1x16xf32>
    tpu.vector_store %arg9[%swap3A_9, %swap3A_10], %swap3A_13 {strides = array<i32>} : memref<16x16xf32, #tpu.memory_space<vmem>>, vector<1x16xf32>,
    %swap3A_14 = arith.constant 1 : i32
    %swap3A_15 = arith.index_cast %swap3A_14 : i32 to index
    %swap3A_16 = arith.constant 0 : index
    %swap3A_17 = tpu.vector_load %arg9[%swap3A_15, %swap3A_16] {strides = array<i32>} : memref<16x16xf32, #tpu.memory_space<vmem>>, vector<1x16xf32>,
    %swap3A_18 = vector.shape_cast %swap3A_17 : vector<1x16xf32> to vector<16xf32>
    %swap3A_19 = vector.shape_cast %scan3A_7#1 : vector<16xf32> to vector<1x16xf32>
    tpu.vector_store %arg9[%swap3A_15, %swap3A_16], %swap3A_19 {strides = array<i32>} : memref<16x16xf32, #tpu.memory_space<vmem>>, vector<1x16xf32>,
    %swap3A_20 = arith.constant 2 : i32
    %swap3A_21 = arith.index_cast %swap3A_20 : i32 to index
    %swap3A_22 = arith.constant 0 : index
    %swap3A_23 = tpu.vector_load %arg9[%swap3A_21, %swap3A_22] {strides = array<i32>} : memref<16x16xf32, #tpu.memory_space<vmem>>, vector<1x16xf32>,
    %swap3A_24 = vector.shape_cast %swap3A_23 : vector<1x16xf32> to vector<16xf32>
    %swap3A_25 = vector.shape_cast %scan3A_7#2 : vector<16xf32> to vector<1x16xf32>
    tpu.vector_store %arg9[%swap3A_21, %swap3A_22], %swap3A_25 {strides = array<i32>} : memref<16x16xf32, #tpu.memory_space<vmem>>, vector<1x16xf32>,
    %swap3A_26 = arith.constant 3 : i32
    %swap3A_27 = arith.index_cast %swap3A_26 : i32 to index
    %swap3A_28 = arith.constant 0 : index
    %swap3A_29 = tpu.vector_load %arg9[%swap3A_27, %swap3A_28] {strides = array<i32>} : memref<16x16xf32, #tpu.memory_space<vmem>>, vector<1x16xf32>,
    %swap3A_30 = vector.shape_cast %swap3A_29 : vector<1x16xf32> to vector<16xf32>
    %swap3A_31 = vector.shape_cast %scan3A_7#3 : vector<16xf32> to vector<1x16xf32>
    tpu.vector_store %arg9[%swap3A_27, %swap3A_28], %swap3A_31 {strides = array<i32>} : memref<16x16xf32, #tpu.memory_space<vmem>>, vector<1x16xf32>,
    %swap3A_32 = arith.constant 4 : i32
    %swap3A_33 = arith.index_cast %swap3A_32 : i32 to index
    %swap3A_34 = arith.constant 0 : index
    %swap3A_35 = tpu.vector_load %arg9[%swap3A_33, %swap3A_34] {strides = array<i32>} : memref<16x16xf32, #tpu.memory_space<vmem>>, vector<1x16xf32>,
    %swap3A_36 = vector.shape_cast %swap3A_35 : vector<1x16xf32> to vector<16xf32>
    %swap3A_37 = vector.shape_cast %scan3A_7#4 : vector<16xf32> to vector<1x16xf32>
    tpu.vector_store %arg9[%swap3A_33, %swap3A_34], %swap3A_37 {strides = array<i32>} : memref<16x16xf32, #tpu.memory_space<vmem>>, vector<1x16xf32>,
    %swap3A_38 = arith.constant 5 : i32
    %swap3A_39 = arith.index_cast %swap3A_38 : i32 to index
    %swap3A_40 = arith.constant 0 : index
    %swap3A_41 = tpu.vector_load %arg9[%swap3A_39, %swap3A_40] {strides = array<i32>} : memref<16x16xf32, #tpu.memory_space<vmem>>, vector<1x16xf32>,
    %swap3A_42 = vector.shape_cast %swap3A_41 : vector<1x16xf32> to vector<16xf32>
    %swap3A_43 = vector.shape_cast %scan3A_7#5 : vector<16xf32> to vector<1x16xf32>
    tpu.vector_store %arg9[%swap3A_39, %swap3A_40], %swap3A_43 {strides = array<i32>} : memref<16x16xf32, #tpu.memory_space<vmem>>, vector<1x16xf32>,
    %swap3A_44 = arith.constant 6 : i32
    %swap3A_45 = arith.index_cast %swap3A_44 : i32 to index
    %swap3A_46 = arith.constant 0 : index
    %swap3A_47 = tpu.vector_load %arg9[%swap3A_45, %swap3A_46] {strides = array<i32>} : memref<16x16xf32, #tpu.memory_space<vmem>>, vector<1x16xf32>,
    %swap3A_48 = vector.shape_cast %swap3A_47 : vector<1x16xf32> to vector<16xf32>
    %swap3A_49 = vector.shape_cast %scan3A_7#6 : vector<16xf32> to vector<1x16xf32>
    tpu.vector_store %arg9[%swap3A_45, %swap3A_46], %swap3A_49 {strides = array<i32>} : memref<16x16xf32, #tpu.memory_space<vmem>>, vector<1x16xf32>,
    %swap3A_50 = arith.constant 7 : i32
    %swap3A_51 = arith.index_cast %swap3A_50 : i32 to index
    %swap3A_52 = arith.constant 0 : index
    %swap3A_53 = tpu.vector_load %arg9[%swap3A_51, %swap3A_52] {strides = array<i32>} : memref<16x16xf32, #tpu.memory_space<vmem>>, vector<1x16xf32>,
    %swap3A_54 = vector.shape_cast %swap3A_53 : vector<1x16xf32> to vector<16xf32>
    %swap3A_55 = vector.shape_cast %scan3A_7#7 : vector<16xf32> to vector<1x16xf32>
    tpu.vector_store %arg9[%swap3A_51, %swap3A_52], %swap3A_55 {strides = array<i32>} : memref<16x16xf32, #tpu.memory_space<vmem>>, vector<1x16xf32>,
    %swap3A_56 = arith.constant 8 : i32
    %swap3A_57 = arith.index_cast %swap3A_56 : i32 to index
    %swap3A_58 = arith.constant 0 : index
    %swap3A_59 = tpu.vector_load %arg9[%swap3A_57, %swap3A_58] {strides = array<i32>} : memref<16x16xf32, #tpu.memory_space<vmem>>, vector<1x16xf32>,
    %swap3A_60 = vector.shape_cast %swap3A_59 : vector<1x16xf32> to vector<16xf32>
    %swap3A_61 = vector.shape_cast %scan3A_7#8 : vector<16xf32> to vector<1x16xf32>
    tpu.vector_store %arg9[%swap3A_57, %swap3A_58], %swap3A_61 {strides = array<i32>} : memref<16x16xf32, #tpu.memory_space<vmem>>, vector<1x16xf32>,
    %swap3A_62 = arith.constant 9 : i32
    %swap3A_63 = arith.index_cast %swap3A_62 : i32 to index
    %swap3A_64 = arith.constant 0 : index
    %swap3A_65 = tpu.vector_load %arg9[%swap3A_63, %swap3A_64] {strides = array<i32>} : memref<16x16xf32, #tpu.memory_space<vmem>>, vector<1x16xf32>,
    %swap3A_66 = vector.shape_cast %swap3A_65 : vector<1x16xf32> to vector<16xf32>
    %swap3A_67 = vector.shape_cast %scan3A_7#9 : vector<16xf32> to vector<1x16xf32>
    tpu.vector_store %arg9[%swap3A_63, %swap3A_64], %swap3A_67 {strides = array<i32>} : memref<16x16xf32, #tpu.memory_space<vmem>>, vector<1x16xf32>,
    %swap3A_68 = arith.constant 10 : i32
    %swap3A_69 = arith.index_cast %swap3A_68 : i32 to index
    %swap3A_70 = arith.constant 0 : index
    %swap3A_71 = tpu.vector_load %arg9[%swap3A_69, %swap3A_70] {strides = array<i32>} : memref<16x16xf32, #tpu.memory_space<vmem>>, vector<1x16xf32>,
    %swap3A_72 = vector.shape_cast %swap3A_71 : vector<1x16xf32> to vector<16xf32>
    %swap3A_73 = vector.shape_cast %scan3A_7#10 : vector<16xf32> to vector<1x16xf32>
    tpu.vector_store %arg9[%swap3A_69, %swap3A_70], %swap3A_73 {strides = array<i32>} : memref<16x16xf32, #tpu.memory_space<vmem>>, vector<1x16xf32>,
    %swap3A_74 = arith.constant 11 : i32
    %swap3A_75 = arith.index_cast %swap3A_74 : i32 to index
    %swap3A_76 = arith.constant 0 : index
    %swap3A_77 = tpu.vector_load %arg9[%swap3A_75, %swap3A_76] {strides = array<i32>} : memref<16x16xf32, #tpu.memory_space<vmem>>, vector<1x16xf32>,
    %swap3A_78 = vector.shape_cast %swap3A_77 : vector<1x16xf32> to vector<16xf32>
    %swap3A_79 = vector.shape_cast %scan3A_7#11 : vector<16xf32> to vector<1x16xf32>
    tpu.vector_store %arg9[%swap3A_75, %swap3A_76], %swap3A_79 {strides = array<i32>} : memref<16x16xf32, #tpu.memory_space<vmem>>, vector<1x16xf32>,
    %swap3A_80 = arith.constant 12 : i32
    %swap3A_81 = arith.index_cast %swap3A_80 : i32 to index
    %swap3A_82 = arith.constant 0 : index
    %swap3A_83 = tpu.vector_load %arg9[%swap3A_81, %swap3A_82] {strides = array<i32>} : memref<16x16xf32, #tpu.memory_space<vmem>>, vector<1x16xf32>,
    %swap3A_84 = vector.shape_cast %swap3A_83 : vector<1x16xf32> to vector<16xf32>
    %swap3A_85 = vector.shape_cast %scan3A_7#12 : vector<16xf32> to vector<1x16xf32>
    tpu.vector_store %arg9[%swap3A_81, %swap3A_82], %swap3A_85 {strides = array<i32>} : memref<16x16xf32, #tpu.memory_space<vmem>>, vector<1x16xf32>,
    %swap3A_86 = arith.constant 13 : i32
    %swap3A_87 = arith.index_cast %swap3A_86 : i32 to index
    %swap3A_88 = arith.constant 0 : index
    %swap3A_89 = tpu.vector_load %arg9[%swap3A_87, %swap3A_88] {strides = array<i32>} : memref<16x16xf32, #tpu.memory_space<vmem>>, vector<1x16xf32>,
    %swap3A_90 = vector.shape_cast %swap3A_89 : vector<1x16xf32> to vector<16xf32>
    %swap3A_91 = vector.shape_cast %scan3A_7#13 : vector<16xf32> to vector<1x16xf32>
    tpu.vector_store %arg9[%swap3A_87, %swap3A_88], %swap3A_91 {strides = array<i32>} : memref<16x16xf32, #tpu.memory_space<vmem>>, vector<1x16xf32>,
    %swap3A_92 = arith.constant 14 : i32
    %swap3A_93 = arith.index_cast %swap3A_92 : i32 to index
    %swap3A_94 = arith.constant 0 : index
    %swap3A_95 = tpu.vector_load %arg9[%swap3A_93, %swap3A_94] {strides = array<i32>} : memref<16x16xf32, #tpu.memory_space<vmem>>, vector<1x16xf32>,
    %swap3A_96 = vector.shape_cast %swap3A_95 : vector<1x16xf32> to vector<16xf32>
    %swap3A_97 = vector.shape_cast %scan3A_7#14 : vector<16xf32> to vector<1x16xf32>
    tpu.vector_store %arg9[%swap3A_93, %swap3A_94], %swap3A_97 {strides = array<i32>} : memref<16x16xf32, #tpu.memory_space<vmem>>, vector<1x16xf32>,
    %swap3A_98 = arith.constant 15 : i32
    %swap3A_99 = arith.index_cast %swap3A_98 : i32 to index
    %swap3A_100 = arith.constant 0 : index
    %swap3A_101 = tpu.vector_load %arg9[%swap3A_99, %swap3A_100] {strides = array<i32>} : memref<16x16xf32, #tpu.memory_space<vmem>>, vector<1x16xf32>,
    %swap3A_102 = vector.shape_cast %swap3A_101 : vector<1x16xf32> to vector<16xf32>
    %swap3A_103 = vector.shape_cast %scan3A_7#15 : vector<16xf32> to vector<1x16xf32>
    tpu.vector_store %arg9[%swap3A_99, %swap3A_100], %swap3A_103 {strides = array<i32>} : memref<16x16xf32, #tpu.memory_space<vmem>>, vector<1x16xf32>,
    %mul3A_104 = arith.constant 2 : i32
    %mul3A_105 = arith.muli %add3A, %mul3A_104 : i32
    %mul3A_106 = arith.constant 8 : i32
    %mul3A_107 = arith.muli %mul3A_105, %mul3A_106 : i32
    "tpu.region"() ({
      %run_scoped3A = tpu.sem_alloc : memref<!tpu.dma_semaphore, #tpu.memory_space<semaphore_mem>>
      %dma_start3A = arith.constant 0 : i32
      %dma_start3A_108 = tpu.memref_slice %arg5[%mul3A_107, %dma_start3A] : memref<512x16xf32, #tpu.memory_space<hbm>> -> memref<16x16xf32, #tpu.memory_space<hbm>>
      %dma_start3A_109 = arith.constant 0 : i32
      %dma_start3A_110 = tpu.memref_slice %arg5[%mul3A_107, %dma_start3A_109] : memref<512x16xf32, #tpu.memory_space<hbm>> -> memref<16x16xf32, #tpu.memory_space<hbm>>
      tpu.enqueue_dma source(%arg9 : memref<16x16xf32, #tpu.memory_space<vmem>>) target(%dma_start3A_110 : memref<16x16xf32, #tpu.memory_space<hbm>>) target_semaphore(%run_scoped3A : memref<!tpu.dma_semaphore, #tpu.memory_space<semaphore_mem>>)
      %dma_wait3A = arith.constant 0 : i32
      %dma_wait3A_111 = tpu.memref_slice %arg5[%mul3A_107, %dma_wait3A] : memref<512x16xf32, #tpu.memory_space<hbm>> -> memref<16x16xf32, #tpu.memory_space<hbm>>
      %dma_wait3A_112 = arith.constant 0 : i32
      %dma_wait3A_113 = tpu.memref_slice %arg5[%mul3A_107, %dma_wait3A_112] : memref<512x16xf32, #tpu.memory_space<hbm>> -> memref<16x16xf32, #tpu.memory_space<hbm>>
      tpu.wait_dma2 semaphore(%run_scoped3A : memref<!tpu.dma_semaphore, #tpu.memory_space<semaphore_mem>>) src(%arg9 : memref<16x16xf32, #tpu.memory_space<vmem>>) dst(%dma_wait3A_113 : memref<16x16xf32, #tpu.memory_space<hbm>>)
      tpu.yield
    }) : () -> ()
    return
  }
}

module attributes {stable_mosaic.version = 14 : i64} {
  func.func @aux_body(%arg0: memref<512x16xf32, #tpu.memory_space<vmem>>, %arg1: memref<1x1xf32, #tpu.memory_space<vmem>>) attributes {dimension_semantics = [], scalar_prefetch = 0 : i64, scratch_operands = 0 : i64, tpu.core_type = #tpu.core_type<tc>} {
    %get3A = arith.constant 0 : index
    %get3A_0 = arith.constant 0 : index
    %get3A_1 = vector.load %arg0[%get3A, %get3A_0] : memref<512x16xf32, #tpu.memory_space<vmem>>, vector<512x16xf32>
    %iota3A = tpu.iota {dimensions = array<i32: 0>} : vector<512x16xi32>
    %jit3A = arith.constant 16 : i32
    %eq3A = arith.constant 0 : i32
    %eq3A_2 = arith.cmpi eq, %jit3A, %eq3A : i32
    %jit3A_3 = arith.constant 1 : i32
    %select_n3A = arith.select %eq3A_2, %jit3A_3, %jit3A : i32
    %rem3A = vector.broadcast %select_n3A : i32 to vector<512x16xi32>
    %rem3A_4 = arith.remsi %iota3A, %rem3A : vector<512x16xi32>
    %ne3A = arith.constant 0 : i32
    %ne3A_5 = vector.broadcast %ne3A : i32 to vector<512x16xi32>
    %ne3A_6 = arith.cmpi ne, %rem3A_4, %ne3A_5 : vector<512x16xi32>
    %lt3A = arith.constant 0 : i32
    %lt3A_7 = vector.broadcast %lt3A : i32 to vector<512x16xi32>
    %lt3A_8 = arith.cmpi slt, %rem3A_4, %lt3A_7 : vector<512x16xi32>
    %lt3A_9 = arith.constant 0 : i32
    %lt3A_10 = arith.cmpi slt, %select_n3A, %lt3A_9 : i32
    %ne3A_11 = vector.broadcast %lt3A_10 : i1 to vector<512x16xi1>
    %ne3A_12 = vector.broadcast %ne3A_11 : vector<512x16xi1> to vector<512x16xi1>
    %ne3A_13 = arith.xori %lt3A_8, %ne3A_12 : vector<512x16xi1>
    %and3A = arith.andi %ne3A_13, %ne3A_6 : vector<512x16xi1>
    %add3A = vector.broadcast %select_n3A : i32 to vector<512x16xi32>
    %add3A_14 = arith.addi %rem3A_4, %add3A : vector<512x16xi32>
    %select_n3A_15 = arith.select %and3A, %add3A_14, %rem3A_4 : vector<512x16xi1>, vector<512x16xi32>
    %eq3A_16 = arith.constant 0 : i32
    %eq3A_17 = vector.broadcast %eq3A_16 : i32 to vector<512x16xi32>
    %eq3A_18 = arith.cmpi eq, %select_n3A_15, %eq3A_17 : vector<512x16xi32>
    %jit3A_19 = arith.constant 0.000000e+00 : f32
    %broadcast_in_dim3A = vector.broadcast %jit3A_19 : f32 to vector<512x16xf32>
    %select_n3A_20 = arith.select %eq3A_18, %get3A_1, %broadcast_in_dim3A : vector<512x16xi1>, vector<512x16xf32>
    %reduce_sum3A = vector.shape_cast %select_n3A_20 : vector<512x16xf32> to vector<1x512x16xf32>
    %reduce_sum3A_21 = arith.constant dense<0.000000e+00> : vector<1xf32>
    %reduce_sum3A_22 = vector.multi_reduction <add>, %reduce_sum3A, %reduce_sum3A_21 [1, 2] : vector<1x512x16xf32> to vector<1xf32>
    %reduce_sum3A_23 = vector.shape_cast %reduce_sum3A_22 : vector<1xf32> to vector<1x1x1xf32>
    %reduce_sum3A_24 = vector.extract %reduce_sum3A_23[0, 0, 0] : f32 from vector<1x1x1xf32>
    %eq3A_25 = arith.constant 8 : i32
    %eq3A_26 = vector.broadcast %eq3A_25 : i32 to vector<512x16xi32>
    %eq3A_27 = arith.cmpi eq, %select_n3A_15, %eq3A_26 : vector<512x16xi32>
    %jit3A_28 = arith.constant 0.000000e+00 : f32
    %broadcast_in_dim3A_29 = vector.broadcast %jit3A_28 : f32 to vector<512x16xf32>
    %select_n3A_30 = arith.select %eq3A_27, %get3A_1, %broadcast_in_dim3A_29 : vector<512x16xi1>, vector<512x16xf32>
    %reduce_sum3A_31 = vector.shape_cast %select_n3A_30 : vector<512x16xf32> to vector<1x512x16xf32>
    %reduce_sum3A_32 = arith.constant dense<0.000000e+00> : vector<1xf32>
    %reduce_sum3A_33 = vector.multi_reduction <add>, %reduce_sum3A_31, %reduce_sum3A_32 [1, 2] : vector<1x512x16xf32> to vector<1xf32>
    %reduce_sum3A_34 = vector.shape_cast %reduce_sum3A_33 : vector<1xf32> to vector<1x1x1xf32>
    %reduce_sum3A_35 = vector.extract %reduce_sum3A_34[0, 0, 0] : f32 from vector<1x1x1xf32>
    %mul3A = arith.mulf %reduce_sum3A_24, %reduce_sum3A_35 : f32
    %add3A_36 = arith.constant 0.000000e+00 : f32
    %add3A_37 = arith.addf %add3A_36, %mul3A : f32
    %eq3A_38 = arith.constant 1 : i32
    %eq3A_39 = vector.broadcast %eq3A_38 : i32 to vector<512x16xi32>
    %eq3A_40 = arith.cmpi eq, %select_n3A_15, %eq3A_39 : vector<512x16xi32>
    %jit3A_41 = arith.constant 0.000000e+00 : f32
    %broadcast_in_dim3A_42 = vector.broadcast %jit3A_41 : f32 to vector<512x16xf32>
    %select_n3A_43 = arith.select %eq3A_40, %get3A_1, %broadcast_in_dim3A_42 : vector<512x16xi1>, vector<512x16xf32>
    %reduce_sum3A_44 = vector.shape_cast %select_n3A_43 : vector<512x16xf32> to vector<1x512x16xf32>
    %reduce_sum3A_45 = arith.constant dense<0.000000e+00> : vector<1xf32>
    %reduce_sum3A_46 = vector.multi_reduction <add>, %reduce_sum3A_44, %reduce_sum3A_45 [1, 2] : vector<1x512x16xf32> to vector<1xf32>
    %reduce_sum3A_47 = vector.shape_cast %reduce_sum3A_46 : vector<1xf32> to vector<1x1x1xf32>
    %reduce_sum3A_48 = vector.extract %reduce_sum3A_47[0, 0, 0] : f32 from vector<1x1x1xf32>
    %eq3A_49 = arith.constant 9 : i32
    %eq3A_50 = vector.broadcast %eq3A_49 : i32 to vector<512x16xi32>
    %eq3A_51 = arith.cmpi eq, %select_n3A_15, %eq3A_50 : vector<512x16xi32>
    %jit3A_52 = arith.constant 0.000000e+00 : f32
    %broadcast_in_dim3A_53 = vector.broadcast %jit3A_52 : f32 to vector<512x16xf32>
    %select_n3A_54 = arith.select %eq3A_51, %get3A_1, %broadcast_in_dim3A_53 : vector<512x16xi1>, vector<512x16xf32>
    %reduce_sum3A_55 = vector.shape_cast %select_n3A_54 : vector<512x16xf32> to vector<1x512x16xf32>
    %reduce_sum3A_56 = arith.constant dense<0.000000e+00> : vector<1xf32>
    %reduce_sum3A_57 = vector.multi_reduction <add>, %reduce_sum3A_55, %reduce_sum3A_56 [1, 2] : vector<1x512x16xf32> to vector<1xf32>
    %reduce_sum3A_58 = vector.shape_cast %reduce_sum3A_57 : vector<1xf32> to vector<1x1x1xf32>
    %reduce_sum3A_59 = vector.extract %reduce_sum3A_58[0, 0, 0] : f32 from vector<1x1x1xf32>
    %mul3A_60 = arith.mulf %reduce_sum3A_48, %reduce_sum3A_59 : f32
    %add3A_61 = arith.addf %add3A_37, %mul3A_60 : f32
    %eq3A_62 = arith.constant 2 : i32
    %eq3A_63 = vector.broadcast %eq3A_62 : i32 to vector<512x16xi32>
    %eq3A_64 = arith.cmpi eq, %select_n3A_15, %eq3A_63 : vector<512x16xi32>
    %jit3A_65 = arith.constant 0.000000e+00 : f32
    %broadcast_in_dim3A_66 = vector.broadcast %jit3A_65 : f32 to vector<512x16xf32>
    %select_n3A_67 = arith.select %eq3A_64, %get3A_1, %broadcast_in_dim3A_66 : vector<512x16xi1>, vector<512x16xf32>
    %reduce_sum3A_68 = vector.shape_cast %select_n3A_67 : vector<512x16xf32> to vector<1x512x16xf32>
    %reduce_sum3A_69 = arith.constant dense<0.000000e+00> : vector<1xf32>
    %reduce_sum3A_70 = vector.multi_reduction <add>, %reduce_sum3A_68, %reduce_sum3A_69 [1, 2] : vector<1x512x16xf32> to vector<1xf32>
    %reduce_sum3A_71 = vector.shape_cast %reduce_sum3A_70 : vector<1xf32> to vector<1x1x1xf32>
    %reduce_sum3A_72 = vector.extract %reduce_sum3A_71[0, 0, 0] : f32 from vector<1x1x1xf32>
    %eq3A_73 = arith.constant 10 : i32
    %eq3A_74 = vector.broadcast %eq3A_73 : i32 to vector<512x16xi32>
    %eq3A_75 = arith.cmpi eq, %select_n3A_15, %eq3A_74 : vector<512x16xi32>
    %jit3A_76 = arith.constant 0.000000e+00 : f32
    %broadcast_in_dim3A_77 = vector.broadcast %jit3A_76 : f32 to vector<512x16xf32>
    %select_n3A_78 = arith.select %eq3A_75, %get3A_1, %broadcast_in_dim3A_77 : vector<512x16xi1>, vector<512x16xf32>
    %reduce_sum3A_79 = vector.shape_cast %select_n3A_78 : vector<512x16xf32> to vector<1x512x16xf32>
    %reduce_sum3A_80 = arith.constant dense<0.000000e+00> : vector<1xf32>
    %reduce_sum3A_81 = vector.multi_reduction <add>, %reduce_sum3A_79, %reduce_sum3A_80 [1, 2] : vector<1x512x16xf32> to vector<1xf32>
    %reduce_sum3A_82 = vector.shape_cast %reduce_sum3A_81 : vector<1xf32> to vector<1x1x1xf32>
    %reduce_sum3A_83 = vector.extract %reduce_sum3A_82[0, 0, 0] : f32 from vector<1x1x1xf32>
    %mul3A_84 = arith.mulf %reduce_sum3A_72, %reduce_sum3A_83 : f32
    %add3A_85 = arith.addf %add3A_61, %mul3A_84 : f32
    %eq3A_86 = arith.constant 3 : i32
    %eq3A_87 = vector.broadcast %eq3A_86 : i32 to vector<512x16xi32>
    %eq3A_88 = arith.cmpi eq, %select_n3A_15, %eq3A_87 : vector<512x16xi32>
    %jit3A_89 = arith.constant 0.000000e+00 : f32
    %broadcast_in_dim3A_90 = vector.broadcast %jit3A_89 : f32 to vector<512x16xf32>
    %select_n3A_91 = arith.select %eq3A_88, %get3A_1, %broadcast_in_dim3A_90 : vector<512x16xi1>, vector<512x16xf32>
    %reduce_sum3A_92 = vector.shape_cast %select_n3A_91 : vector<512x16xf32> to vector<1x512x16xf32>
    %reduce_sum3A_93 = arith.constant dense<0.000000e+00> : vector<1xf32>
    %reduce_sum3A_94 = vector.multi_reduction <add>, %reduce_sum3A_92, %reduce_sum3A_93 [1, 2] : vector<1x512x16xf32> to vector<1xf32>
    %reduce_sum3A_95 = vector.shape_cast %reduce_sum3A_94 : vector<1xf32> to vector<1x1x1xf32>
    %reduce_sum3A_96 = vector.extract %reduce_sum3A_95[0, 0, 0] : f32 from vector<1x1x1xf32>
    %eq3A_97 = arith.constant 11 : i32
    %eq3A_98 = vector.broadcast %eq3A_97 : i32 to vector<512x16xi32>
    %eq3A_99 = arith.cmpi eq, %select_n3A_15, %eq3A_98 : vector<512x16xi32>
    %jit3A_100 = arith.constant 0.000000e+00 : f32
    %broadcast_in_dim3A_101 = vector.broadcast %jit3A_100 : f32 to vector<512x16xf32>
    %select_n3A_102 = arith.select %eq3A_99, %get3A_1, %broadcast_in_dim3A_101 : vector<512x16xi1>, vector<512x16xf32>
    %reduce_sum3A_103 = vector.shape_cast %select_n3A_102 : vector<512x16xf32> to vector<1x512x16xf32>
    %reduce_sum3A_104 = arith.constant dense<0.000000e+00> : vector<1xf32>
    %reduce_sum3A_105 = vector.multi_reduction <add>, %reduce_sum3A_103, %reduce_sum3A_104 [1, 2] : vector<1x512x16xf32> to vector<1xf32>
    %reduce_sum3A_106 = vector.shape_cast %reduce_sum3A_105 : vector<1xf32> to vector<1x1x1xf32>
    %reduce_sum3A_107 = vector.extract %reduce_sum3A_106[0, 0, 0] : f32 from vector<1x1x1xf32>
    %mul3A_108 = arith.mulf %reduce_sum3A_96, %reduce_sum3A_107 : f32
    %add3A_109 = arith.addf %add3A_85, %mul3A_108 : f32
    %eq3A_110 = arith.constant 4 : i32
    %eq3A_111 = vector.broadcast %eq3A_110 : i32 to vector<512x16xi32>
    %eq3A_112 = arith.cmpi eq, %select_n3A_15, %eq3A_111 : vector<512x16xi32>
    %jit3A_113 = arith.constant 0.000000e+00 : f32
    %broadcast_in_dim3A_114 = vector.broadcast %jit3A_113 : f32 to vector<512x16xf32>
    %select_n3A_115 = arith.select %eq3A_112, %get3A_1, %broadcast_in_dim3A_114 : vector<512x16xi1>, vector<512x16xf32>
    %reduce_sum3A_116 = vector.shape_cast %select_n3A_115 : vector<512x16xf32> to vector<1x512x16xf32>
    %reduce_sum3A_117 = arith.constant dense<0.000000e+00> : vector<1xf32>
    %reduce_sum3A_118 = vector.multi_reduction <add>, %reduce_sum3A_116, %reduce_sum3A_117 [1, 2] : vector<1x512x16xf32> to vector<1xf32>
    %reduce_sum3A_119 = vector.shape_cast %reduce_sum3A_118 : vector<1xf32> to vector<1x1x1xf32>
    %reduce_sum3A_120 = vector.extract %reduce_sum3A_119[0, 0, 0] : f32 from vector<1x1x1xf32>
    %eq3A_121 = arith.constant 12 : i32
    %eq3A_122 = vector.broadcast %eq3A_121 : i32 to vector<512x16xi32>
    %eq3A_123 = arith.cmpi eq, %select_n3A_15, %eq3A_122 : vector<512x16xi32>
    %jit3A_124 = arith.constant 0.000000e+00 : f32
    %broadcast_in_dim3A_125 = vector.broadcast %jit3A_124 : f32 to vector<512x16xf32>
    %select_n3A_126 = arith.select %eq3A_123, %get3A_1, %broadcast_in_dim3A_125 : vector<512x16xi1>, vector<512x16xf32>
    %reduce_sum3A_127 = vector.shape_cast %select_n3A_126 : vector<512x16xf32> to vector<1x512x16xf32>
    %reduce_sum3A_128 = arith.constant dense<0.000000e+00> : vector<1xf32>
    %reduce_sum3A_129 = vector.multi_reduction <add>, %reduce_sum3A_127, %reduce_sum3A_128 [1, 2] : vector<1x512x16xf32> to vector<1xf32>
    %reduce_sum3A_130 = vector.shape_cast %reduce_sum3A_129 : vector<1xf32> to vector<1x1x1xf32>
    %reduce_sum3A_131 = vector.extract %reduce_sum3A_130[0, 0, 0] : f32 from vector<1x1x1xf32>
    %mul3A_132 = arith.mulf %reduce_sum3A_120, %reduce_sum3A_131 : f32
    %add3A_133 = arith.addf %add3A_109, %mul3A_132 : f32
    %eq3A_134 = arith.constant 5 : i32
    %eq3A_135 = vector.broadcast %eq3A_134 : i32 to vector<512x16xi32>
    %eq3A_136 = arith.cmpi eq, %select_n3A_15, %eq3A_135 : vector<512x16xi32>
    %jit3A_137 = arith.constant 0.000000e+00 : f32
    %broadcast_in_dim3A_138 = vector.broadcast %jit3A_137 : f32 to vector<512x16xf32>
    %select_n3A_139 = arith.select %eq3A_136, %get3A_1, %broadcast_in_dim3A_138 : vector<512x16xi1>, vector<512x16xf32>
    %reduce_sum3A_140 = vector.shape_cast %select_n3A_139 : vector<512x16xf32> to vector<1x512x16xf32>
    %reduce_sum3A_141 = arith.constant dense<0.000000e+00> : vector<1xf32>
    %reduce_sum3A_142 = vector.multi_reduction <add>, %reduce_sum3A_140, %reduce_sum3A_141 [1, 2] : vector<1x512x16xf32> to vector<1xf32>
    %reduce_sum3A_143 = vector.shape_cast %reduce_sum3A_142 : vector<1xf32> to vector<1x1x1xf32>
    %reduce_sum3A_144 = vector.extract %reduce_sum3A_143[0, 0, 0] : f32 from vector<1x1x1xf32>
    %eq3A_145 = arith.constant 13 : i32
    %eq3A_146 = vector.broadcast %eq3A_145 : i32 to vector<512x16xi32>
    %eq3A_147 = arith.cmpi eq, %select_n3A_15, %eq3A_146 : vector<512x16xi32>
    %jit3A_148 = arith.constant 0.000000e+00 : f32
    %broadcast_in_dim3A_149 = vector.broadcast %jit3A_148 : f32 to vector<512x16xf32>
    %select_n3A_150 = arith.select %eq3A_147, %get3A_1, %broadcast_in_dim3A_149 : vector<512x16xi1>, vector<512x16xf32>
    %reduce_sum3A_151 = vector.shape_cast %select_n3A_150 : vector<512x16xf32> to vector<1x512x16xf32>
    %reduce_sum3A_152 = arith.constant dense<0.000000e+00> : vector<1xf32>
    %reduce_sum3A_153 = vector.multi_reduction <add>, %reduce_sum3A_151, %reduce_sum3A_152 [1, 2] : vector<1x512x16xf32> to vector<1xf32>
    %reduce_sum3A_154 = vector.shape_cast %reduce_sum3A_153 : vector<1xf32> to vector<1x1x1xf32>
    %reduce_sum3A_155 = vector.extract %reduce_sum3A_154[0, 0, 0] : f32 from vector<1x1x1xf32>
    %mul3A_156 = arith.mulf %reduce_sum3A_144, %reduce_sum3A_155 : f32
    %add3A_157 = arith.addf %add3A_133, %mul3A_156 : f32
    %eq3A_158 = arith.constant 6 : i32
    %eq3A_159 = vector.broadcast %eq3A_158 : i32 to vector<512x16xi32>
    %eq3A_160 = arith.cmpi eq, %select_n3A_15, %eq3A_159 : vector<512x16xi32>
    %jit3A_161 = arith.constant 0.000000e+00 : f32
    %broadcast_in_dim3A_162 = vector.broadcast %jit3A_161 : f32 to vector<512x16xf32>
    %select_n3A_163 = arith.select %eq3A_160, %get3A_1, %broadcast_in_dim3A_162 : vector<512x16xi1>, vector<512x16xf32>
    %reduce_sum3A_164 = vector.shape_cast %select_n3A_163 : vector<512x16xf32> to vector<1x512x16xf32>
    %reduce_sum3A_165 = arith.constant dense<0.000000e+00> : vector<1xf32>
    %reduce_sum3A_166 = vector.multi_reduction <add>, %reduce_sum3A_164, %reduce_sum3A_165 [1, 2] : vector<1x512x16xf32> to vector<1xf32>
    %reduce_sum3A_167 = vector.shape_cast %reduce_sum3A_166 : vector<1xf32> to vector<1x1x1xf32>
    %reduce_sum3A_168 = vector.extract %reduce_sum3A_167[0, 0, 0] : f32 from vector<1x1x1xf32>
    %eq3A_169 = arith.constant 14 : i32
    %eq3A_170 = vector.broadcast %eq3A_169 : i32 to vector<512x16xi32>
    %eq3A_171 = arith.cmpi eq, %select_n3A_15, %eq3A_170 : vector<512x16xi32>
    %jit3A_172 = arith.constant 0.000000e+00 : f32
    %broadcast_in_dim3A_173 = vector.broadcast %jit3A_172 : f32 to vector<512x16xf32>
    %select_n3A_174 = arith.select %eq3A_171, %get3A_1, %broadcast_in_dim3A_173 : vector<512x16xi1>, vector<512x16xf32>
    %reduce_sum3A_175 = vector.shape_cast %select_n3A_174 : vector<512x16xf32> to vector<1x512x16xf32>
    %reduce_sum3A_176 = arith.constant dense<0.000000e+00> : vector<1xf32>
    %reduce_sum3A_177 = vector.multi_reduction <add>, %reduce_sum3A_175, %reduce_sum3A_176 [1, 2] : vector<1x512x16xf32> to vector<1xf32>
    %reduce_sum3A_178 = vector.shape_cast %reduce_sum3A_177 : vector<1xf32> to vector<1x1x1xf32>
    %reduce_sum3A_179 = vector.extract %reduce_sum3A_178[0, 0, 0] : f32 from vector<1x1x1xf32>
    %mul3A_180 = arith.mulf %reduce_sum3A_168, %reduce_sum3A_179 : f32
    %add3A_181 = arith.addf %add3A_157, %mul3A_180 : f32
    %eq3A_182 = arith.constant 7 : i32
    %eq3A_183 = vector.broadcast %eq3A_182 : i32 to vector<512x16xi32>
    %eq3A_184 = arith.cmpi eq, %select_n3A_15, %eq3A_183 : vector<512x16xi32>
    %jit3A_185 = arith.constant 0.000000e+00 : f32
    %broadcast_in_dim3A_186 = vector.broadcast %jit3A_185 : f32 to vector<512x16xf32>
    %select_n3A_187 = arith.select %eq3A_184, %get3A_1, %broadcast_in_dim3A_186 : vector<512x16xi1>, vector<512x16xf32>
    %reduce_sum3A_188 = vector.shape_cast %select_n3A_187 : vector<512x16xf32> to vector<1x512x16xf32>
    %reduce_sum3A_189 = arith.constant dense<0.000000e+00> : vector<1xf32>
    %reduce_sum3A_190 = vector.multi_reduction <add>, %reduce_sum3A_188, %reduce_sum3A_189 [1, 2] : vector<1x512x16xf32> to vector<1xf32>
    %reduce_sum3A_191 = vector.shape_cast %reduce_sum3A_190 : vector<1xf32> to vector<1x1x1xf32>
    %reduce_sum3A_192 = vector.extract %reduce_sum3A_191[0, 0, 0] : f32 from vector<1x1x1xf32>
    %eq3A_193 = arith.constant 15 : i32
    %eq3A_194 = vector.broadcast %eq3A_193 : i32 to vector<512x16xi32>
    %eq3A_195 = arith.cmpi eq, %select_n3A_15, %eq3A_194 : vector<512x16xi32>
    %jit3A_196 = arith.constant 0.000000e+00 : f32
    %broadcast_in_dim3A_197 = vector.broadcast %jit3A_196 : f32 to vector<512x16xf32>
    %select_n3A_198 = arith.select %eq3A_195, %get3A_1, %broadcast_in_dim3A_197 : vector<512x16xi1>, vector<512x16xf32>
    %reduce_sum3A_199 = vector.shape_cast %select_n3A_198 : vector<512x16xf32> to vector<1x512x16xf32>
    %reduce_sum3A_200 = arith.constant dense<0.000000e+00> : vector<1xf32>
    %reduce_sum3A_201 = vector.multi_reduction <add>, %reduce_sum3A_199, %reduce_sum3A_200 [1, 2] : vector<1x512x16xf32> to vector<1xf32>
    %reduce_sum3A_202 = vector.shape_cast %reduce_sum3A_201 : vector<1xf32> to vector<1x1x1xf32>
    %reduce_sum3A_203 = vector.extract %reduce_sum3A_202[0, 0, 0] : f32 from vector<1x1x1xf32>
    %mul3A_204 = arith.mulf %reduce_sum3A_192, %reduce_sum3A_203 : f32
    %add3A_205 = arith.addf %add3A_181, %mul3A_204 : f32
    %mul3A_206 = arith.constant 8.000000e-02 : f32
    %mul3A_207 = arith.mulf %mul3A_206, %add3A_205 : f32
    %mul3A_208 = arith.constant 3.276800e+04 : f32
    %mul3A_209 = arith.constant 3.276800e+04 : f32
    %mul3A_210 = arith.mulf %mul3A_208, %mul3A_209 : f32
    %div3A = arith.divf %mul3A_207, %mul3A_210 : f32
    %reshape3A = vector.broadcast %div3A : f32 to vector<1x1xf32>
    %swap3A = arith.constant 0 : index
    %swap3A_211 = arith.constant 0 : index
    %swap3A_212 = vector.load %arg1[%swap3A, %swap3A_211] : memref<1x1xf32, #tpu.memory_space<vmem>>, vector<1x1xf32>
    tpu.vector_store %arg1[%swap3A, %swap3A_211], %reshape3A {strides = array<i32>} : memref<1x1xf32, #tpu.memory_space<vmem>>, vector<1x1xf32>,
    return
  }
}

module attributes {stable_mosaic.version = 14 : i64} {
  func.func @_logits_body(%arg0: i32, %arg1: memref<1024x2048xf32, #tpu.memory_space<vmem>>, %arg2: memref<8x2048xf32, #tpu.memory_space<vmem>>, %arg3: memref<8x1024xf32, #tpu.memory_space<vmem>>) attributes {dimension_semantics = [#tpu.dimension_semantics<arbitrary>], iteration_bounds = array<i64: 32>, scalar_prefetch = 0 : i64, scratch_operands = 0 : i64, tpu.core_type = #tpu.core_type<tc>, window_params = [{transform_indices = @transform_0, window_bounds = array<i64: 1024, 2048>}, {pipeline_mode = #tpu.pipeline_mode<synchronous>, transform_indices = @transform_1, window_bounds = array<i64: 8, 2048>}, {transform_indices = @transform_2, window_bounds = array<i64: 8, 1024>}]} {
    %get3A = arith.constant 0 : index
    %get3A_0 = arith.constant 0 : index
    %get3A_1 = vector.load %arg2[%get3A, %get3A_0] : memref<8x2048xf32, #tpu.memory_space<vmem>>, vector<8x2048xf32>
    %get3A_2 = arith.constant 0 : index
    %get3A_3 = arith.constant 0 : index
    %get3A_4 = vector.load %arg1[%get3A_2, %get3A_3] : memref<1024x2048xf32, #tpu.memory_space<vmem>>, vector<1024x2048xf32>
    %dot_general3A = arith.constant dense<0.000000e+00> : vector<8x1024xf32>
    %dot_general3A_5 = tpu.matmul %get3A_1, %get3A_4, %dot_general3A {dimension_numbers = #tpu.dot_dimension_numbers<[1], [1], [0], [0], [0, 0, 1, 0], [], []>, transpose_lhs_hint = false} : vector<8x2048xf32>, vector<1024x2048xf32>, vector<8x1024xf32> -> vector<8x1024xf32>
    %swap3A = arith.constant 0 : index
    %swap3A_6 = arith.constant 0 : index
    %swap3A_7 = vector.load %arg3[%swap3A, %swap3A_6] : memref<8x1024xf32, #tpu.memory_space<vmem>>, vector<8x1024xf32>
    tpu.vector_store %arg3[%swap3A, %swap3A_6], %dot_general3A_5 {strides = array<i32>} : memref<8x1024xf32, #tpu.memory_space<vmem>>, vector<8x1024xf32>,
    return
  }
  func.func @transform_0(%arg0: i32) -> (i32, i32) {
    %c0_i32 = arith.constant 0 : i32
    %c0_i32_0 = arith.constant 0 : i32
    return %arg0, %c0_i32 : i32, i32
  }
  func.func @transform_1(%arg0: i32) -> (i32, i32) {
    %c0_i32 = arith.constant 0 : i32
    %c0_i32_0 = arith.constant 0 : i32
    %c0_i32_1 = arith.constant 0 : i32
    return %c0_i32, %c0_i32_0 : i32, i32
  }
  func.func @transform_2(%arg0: i32) -> (i32, i32) {
    %c0_i32 = arith.constant 0 : i32
    %c0_i32_0 = arith.constant 0 : i32
    return %c0_i32, %arg0 : i32, i32
  }
}

</mosaic_0001>

<sc_bundles>
// kernel: kernel.5.cloned.1.call-start
scs
__scs_entry_jumppad:
0x0: {  	(pc) =	sbr.rel $0x88, $3  }
0x1: {  	(tag) =	ssettag $0x0;
	lr =	simm.s32 $0x1  }
0x2: {  	[smem:$0x3F9F] =	sst lr;
	_ =	strace $0xD0000000  }
0x3: {  	_ = 	snop  }
0x4: {  	_ = 	snop  }
0x5: {  	_ = 	snop  }
0x6: {  	_ = 	snop  }
0x7: {  	_ = 	snop  }
__scs_overlays_trampoline_lowered:
0x8: {  	[smem:$0x3FAE] =	sst s0  }
0x9: {  	[smem:$0x3FAF] =	sst s1  }
0xa: {  	[smem:$0x3FB0] =	sst s2  }
0xb: {  	[smem:$0x3FB1] =	sst s3  }
0xc: {  	[smem:$0x3FB2] =	sst s4  }
0xd: {  	[smem:$0x3FB3] =	sst s5  }
0xe: {  	[smem:$0x3FB4] =	sst s6  }
0xf: {  	[smem:$0x3FB5] =	sst s7  }
0x10: {  	[smem:$0x3FB6] =	sst s8  }
0x11: {  	[smem:$0x3FB7] =	sst s9;
	s0 =	simm.s32 @!p0 $0x0  }
0x12: {  	s1 =	sld [smem:$0x3F9D];
	s0 =	simm.s32 @p0 $0x1  }
0x13: {  	[smem:$0x3FB8] =	sst s0;
	s0 =	simm.s32 @!p1 $0x0  }
0x14: {  	s2 =	sld [smem:$0x3F9C];
	s0 =	simm.s32 @p1 $0x1  }
0x15: {  	[smem:$0x3FB9] =	sst s0;
	s0 =	simm.s32 @!p2 $0x0  }
0x16: {  	s3 =	sld [smem:$0x3FDB];
	s0 =	simm.s32 @p2 $0x1  }
0x17: {  	s4 =	simm.s32 $0x1BF5;
	[smem:$0x3FBB] =	sst s0  }
0x18: {  	s0 =	sld [smem:$0x3F9E];
	_ =	swait.ge [sflag:s4], $0x0  }
0x19: {  	s7 =	sld [smem:$0x3F9F]  }
0x1a: {  	s8 =	sadd.s32 $0xFFFFE003, lr  }
0x1b: {  	s9 =	sadd.s32 $0xFFFFFEF7, lr;
	s5 =	simm.s32 $0xFFFFFFFF;
	p2 =	slt.u32 s8, $0xFFFFF086  }
0x1c: {  	p1 =	slt.u32 s9, $0xF7A;
	s5 =	simm.s32 @!p2 $0x0  }
0x1d: {  	s5 =	simm.s32 @p1 $0x1;
	p0 =	seq.s32 s7, s2  }
0x1e: {  	s7 =	smul.u32 @!p0 $0xF7A, s2;
	p2 =	seq.s32 @!p0 s5, $0x0  }
0x1f: {  	s9 =	smul.u32 $0xF7A, s1;
	s8 =	simm.s32 @!p0 $0x1BF5;
	p2 =	por !p2, p0  }
0x20: {  	[sflag:s8] =	ssyncset.s32 @!p0 $0xFFFFF086;
	s6 =	sadd.s32 @!p0 s3, s7;
	s7 =	simm.s32 @!p0 $0x108  }
0x21: {  	s3 =	sadd.s32 s3, s9;
	s6 =	sadd.s32 @!p0 $0x88, s6;
	s7 =	simm.s32 @p2 $0x1082  }
0x22: {  	[simem:s7], [sflag:s8] =	dma.local @!p0 [hbm:s6], $0xF7A  }
0x23: {  	s9 =	sor.u32 $0xD0000000, s2;
	s6 =	simm.s32 $0x108;
	_ =	swait.ge @!p0 [sflag:s8], $0x0  }
0x24: {  	s3 =	sadd.s32 $0x88, s3;
	s6 =	simm.s32 @!p1 $0x1082;
	[sflag:s4] =	ssyncset.s32 $0xFFFFF086  }
0x25: {  	[simem:s6], [sflag:s4] =	dma.local [hbm:s3], $0xF7A  }
0x26: {  	[smem:$0x3F9F] =	sst s1;
	(tag) =	ssettag s2;
	_ =	strace s9  }
0x27: {  	s1 =	sld [smem:$0x3FAF]  }
0x28: {  	s2 =	sld [smem:$0x3FB0]  }
0x29: {  	s4 =	sld [smem:$0x3FB2]  }
0x2a: {  	p0 =	seq.s32 s5, $0x0;
	s5 =	sld [smem:$0x3FB3]  }
0x2b: {  	s6 =	sld [smem:$0x3FB4]  }
0x2c: {  	s7 =	sld [smem:$0x3FB5]  }
0x2d: {  	s3 =	simm.s32 $0x108;
	s8 =	sld [smem:$0x3FB6]  }
0x2e: {  	s3 =	simm.s32 @!p0 $0x1082;
	s9 =	sld [smem:$0x3FB7]  }
0x2f: {  	lr =	sadd.s32 s0, s3;
	s0 =	sld [smem:$0x3FAE]  }
0x30: {  	s3 =	sld [smem:$0x3FB1]  }
0x31: {  	[smem:$0x3FBA] =	sst s10  }
0x32: {  	s10 =	sld [smem:$0x3FB8];
	_ =	sdelay $0x3  }
0x33: {  	p0 =	seq.s32 s10, $0x1;
	s10 =	sld [smem:$0x3FBA];
	_ =	sdelay $0x3  }
0x34: {  	[smem:$0x3FBA] =	sst s10  }
0x35: {  	s10 =	sld [smem:$0x3FB9];
	_ =	sdelay $0x3  }
0x36: {  	p1 =	seq.s32 s10, $0x1;
	s10 =	sld [smem:$0x3FBA];
	_ =	sdelay $0x3  }
0x37: {  	[smem:$0x3FBA] =	sst s10  }
0x38: {  	s10 =	sld [smem:$0x3FBB]  }
0x39: {  	_ = 	snop;
	(pc) =	sbr.ind lr, $3  }
0x3a: {  	_ = 	snop  }
0x3b: {  	_ = 	snop  }
0x3c: {  	p2 =	seq.s32 s10, $0x1;
	s10 =	sld [smem:$0x3FBA]  }
0x3d: {  	_ =	shalt  }
0x3e: {  	_ =	shalt  }
0x3f: {  	_ =	shalt  }
0x40: {  	_ =	shalt  }
0x41: {  	_ =	shalt  }
0x42: {  	_ =	shalt  }
0x43: {  	_ =	shalt  }
0x44: {  	_ =	shalt  }
0x45: {  	_ =	shalt  }
0x46: {  	_ =	shalt  }
0x47: {  	_ =	shalt  }
0x48: {  	_ =	shalt  }
0x49: {  	_ =	shalt  }
0x4a: {  	_ =	shalt  }
0x4b: {  	_ =	shalt  }
0x4c: {  	_ =	shalt  }
0x4d: {  	_ =	shalt  }
0x4e: {  	_ =	shalt  }
0x4f: {  	_ =	shalt  }
0x50: {  	_ =	shalt  }
0x51: {  	_ =	shalt  }
0x52: {  	_ =	shalt  }
0x53: {  	_ =	shalt  }
0x54: {  	_ =	shalt  }
0x55: {  	_ =	shalt  }
0x56: {  	_ =	shalt  }
0x57: {  	_ =	shalt  }
0x58: {  	_ =	shalt  }
0x59: {  	_ =	shalt  }
0x5a: {  	_ =	shalt  }
0x5b: {  	_ =	shalt  }
0x5c: {  	_ =	shalt  }
0x5d: {  	_ =	shalt  }
0x5e: {  	_ =	shalt  }
0x5f: {  	_ =	shalt  }
0x60: {  	_ =	shalt  }
0x61: {  	_ =	shalt  }
0x62: {  	_ =	shalt  }
0x63: {  	_ =	shalt  }
0x64: {  	_ =	shalt  }
0x65: {  	_ =	shalt  }
0x66: {  	_ =	shalt  }
0x67: {  	_ =	shalt  }
0x68: {  	_ =	shalt  }
0x69: {  	_ =	shalt  }
0x6a: {  	_ =	shalt  }
0x6b: {  	_ =	shalt  }
0x6c: {  	_ =	shalt  }
0x6d: {  	_ =	shalt  }
0x6e: {  	_ =	shalt  }
0x6f: {  	_ =	shalt  }
0x70: {  	_ =	shalt  }
0x71: {  	_ =	shalt  }
0x72: {  	_ =	shalt  }
0x73: {  	_ =	shalt  }
0x74: {  	_ =	shalt  }
0x75: {  	_ =	shalt  }
0x76: {  	_ =	shalt  }
0x77: {  	_ =	shalt  }
0x78: {  	_ =	shalt  }
0x79: {  	_ =	shalt  }
0x7a: {  	_ =	shalt  }
0x7b: {  	_ =	shalt  }
0x7c: {  	_ =	shalt  }
0x7d: {  	_ =	shalt  }
0x7e: {  	_ =	shalt  }
0x7f: {  	_ =	shalt  }
0x80: {  	_ =	shalt  }
0x81: {  	_ =	shalt  }
0x82: {  	_ =	shalt  }
0x83: {  	_ =	shalt  }
0x84: {  	_ =	shalt  }
0x85: {  	_ =	shalt  }
0x86: {  	_ =	shalt  }
0x87: {  	_ =	shalt  }
.Lfunc_end0:
.L_simem_size_0:
called_computation_lowered:
.L_overlay_start_0:
0x88: {  	s2 =	sld [smem:$0x3FD9]  }
0x89: {  	s3 =	sld [smem:$0x3FFE];
	_ =	sdelay $0x1  }
0x8a: {  	s1 =	srdreg.scid  }
0x8b: {  	s0 =	sand.u32 $0x1, s1  }
0x8c: {  	s14 =	sshll.u32 s0, $0xA;
	s2 =	sadd.s32 s3, s2  }
0x8d: {  	s2 =	sadd.s32 s2, s14  }
0x8e: {  	[smem:$0x3FC6] =	sst s2  }
0x8f: {  	_ = 	snop  }
0x90: {  	s2 =	sld [smem:$0x3FD0];
	_ =	sdelay $0x2  }
0x91: {  	s15 =	simm.s32 $0xA;
	s4 =	simm.s32 $0x10  }
0x92: {  	[smem:s4], [sflag:s15] =	dma.local [hbm:s2], $0x1  }
0x93: {  	_ =	swait.eq [sflag:s15], $0x1  }
0x94: {  	[sflag:s15] =	ssyncset.done $0x0  }
0x95: {  	s16 =	sld [smem:$0x10];
	[sflag:s15] =	ssyncadd.s32 $0xFFFFFFFF  }
0x96: {  	s17 =	sld [smem:$0x11];
	(tm) =	ssettm $0x1  }
0x97: {  	s18 =	sld [smem:$0x3FFB];
	_ =	sdelay $0x3  }
0x98: {  	_ =	strace s18  }
0x99: {  	s4 =	sld [smem:$0x3FFC];
	_ =	sdelay $0x3  }
0x9a: {  	_ =	strace s4  }
0x9b: {  	s4 =	sld [smem:$0x3FFD];
	_ =	sdelay $0x3  }
0x9c: {  	_ =	strace s4  }
0x9d: {  	_ =	strace $0x8FFFFFFF  }
0x9e: {  	s19 =	sld [smem:$0x3FDB];
	_ =	sdelay $0x1  }
0x9f: {  	s5 =	simm.s32 $_scs_section_size  }
0xa0: {  	s6 =	simm.s32 $_size__tile_overlayer_lowered;
	s7 =	simm.s32 $_tile_overlayer_lowered  }
0xa1: {  	s22 =	simm.s32 $0x1BFF;
	s21 =	sshll.u32 s7, $0x1;
	s4 =	sadd.s32 s5, s19  }
0xa2: {  	s8 =	simm.s32 $0x0;
	s20 =	sshll.u32 s6, $0x1;
	s6 =	sadd.s32 s21, s4  }
0xa3: {  	[timem:s8], [sflag:s22] =	dma.local [hbm:s6], s20  }
0xa4: {  	_ =	swait.ge [sflag:s22], s20  }
0xa5: {  	s5 =	ssub.s32 $0x0, s20;
	[sflag:s22] =	ssyncset.done $0x0  }
0xa6: {  	[sflag:s22] =	ssyncadd.s32 s5;
	_ =	sdelay $0x1  }
0xa7: {  	s23 =	simm.s32 $0x1B8B  }
0xa8: {  	_ =	swait.ge [sflag:s23], $0x1  }
0xa9: {  	[sflag:s23] =	ssyncset.done $0x0  }
0xaa: {  	s25 =	simm.s32 $0x1B8E;
	s24 =	sld [smem:$0x3FFE];
	[sflag:s23] =	ssyncadd.s32 $0xFFFFFFFF  }
0xab: {  	s26 =	simm.s32 $execute0_lowered;
	[smem:$0x3FD2] =	sst s25  }
0xac: {  	s6 =	sshll.u32 s26, $0x1;
	_ =	strace $0x80000046;
	[dreg:$0x1] =	wrdreg $0xFFFFFFFF  }
0xad: {  	s28 =	simm.s32 $_size_execute0_lowered;
	s4 =	sadd.s32 s4, s6;
	[dreg:$0x0] =	wrdreg $0x0  }
0xae: {  	s6 =	sshll.u32 s28, $0x1;
	[dreg:$0x2] =	wrdreg s4  }
0xaf: {  	[dreg:$0x3] =	wrdreg s6  }
0xb0: {  	[dreg:$0x4] =	wrdreg $0xC0  }
0xb1: {  	_ =	task [dreg:s8], $0x5FFFF  }
0xb2: {  	[dreg:$0x1] =	wrdreg $0xFFFFFFFF  }
0xb3: {  	[dreg:$0x0] =	wrdreg $0x60  }
0xb4: {  	[dreg:$0x2] =	wrdreg s24  }
0xb5: {  	[dreg:$0x3] =	wrdreg s16  }
0xb6: {  	[dreg:$0x4] =	wrdreg s17  }
0xb7: {  	[dreg:$0x5] =	wrdreg $0x9  }
0xb8: {  	_ =	task.clear_ibuf [dreg:s8], $0x6FFFF;
	_ =	strace $0x90000046  }
0xb9: {  	s29 =	simm.s32 $0x9;
	_ =	strace $0x80000048  }
0xba: {  	_ =	swait.ge [sflag:s29], $0x1  }
0xbb: {  	[sflag:s29] =	ssyncadd.s32 $0xFFFFFFFF  }
0xbc: {  	_ =	strace $0x90000048  }
0xbd: {  	_ =	sfence  }
0xbe: {  	s30 =	sld [smem:$0x0];
	_ =	sdelay $0x2  }
0xbf: {  	s31 =	sshll.u32 s1, $0xD;
	s1 =	sshrl.u32 s1, $0x2  }
0xc0: {  	s3 =	sand.u32 $0x4000, s31;
	s1 =	sadd.s32 s1, s30  }
0xc1: {  	s0 =	sor.u32 s3, s0;
	s1 =	sshll.u32 s1, $0x11  }
0xc2: {  	s0 =	sor.u32 s1, s0  }
0xc3: {  	s0 =	sadd.s32 $0x8F2B, s0  }
0xc4: {  	[sflag:s0] =	ssyncadd.remote.s32 $0x1  }
0xc5: {  	_ =	sfence.sel $0xFFFF  }
0xc6: {  	[dreg:$0x0] =	wrdreg $0xFFFFFFFF;
	(pc) =	sbr.abs _section_cstart, $3  }
0xc7: {  	[dreg:$0x1] =	wrdreg $0xFFFFFFFF  }
0xc8: {  	_ =	task.clear_ibuf [dreg:s8], $0x2FFFF;
	_ =	strace $0x9FFFFFFF  }
0xc9: {  	(tm) =	ssettm $0x7FFFFFFF  }
tec
execute0_lowered:
.L_overlay_start_1:
0x0: {  	(tag) =	ssettag $0x1  }
0x1: {  	s3 =	rddreg [dreg:$0x0]  }
0x2: {  	s4 =	rddreg [dreg:$0x1]  }
0x3: {  	s5 =	rddreg [dreg:$0x2]  }
0x4: {  	s0 =	rddreg [dreg:$0x3];
	s6 =	srdreg.scid  }
0x5: {  	s1 =	stileid.u32;
	s2 =	simm.s32 $0x0;
	s11 =	simm.s32 $0x3000  }
0x6: {  	s6 =	sand.u32 $0x1, s6;
	s7 =	sshll.u32 s1, $0x1;
	[smem:$0x7FF] =	sst s2  }
0x7: {  	s12 =	simm.s32 $0x0;
	s7 =	sor.u32 s6, s7;
	_ =	strace $0x80000047  }
0x8: {  	s6 =	ssub.s32 $0x2, s6;
	s8 =	sshll.u32 s7, $0xA;
	s7 =	sshll.u32 s7, $0x8  }
0x9: {  	s9 =	sshrl.u32 s6, $0x1;
	s8 =	sadd.s32 s8, s3;
	s10 =	sadd.s32 s7, s3  }
0xa: {  	s9 =	ssub.s32 s6, s9;
	s4 =	sadd.s32 s4, s7;
	s5 =	sadd.s32 s5, s7  }
0xb: {  	s3 =	sadd.s32 $0xE00, s8;
	s6 =	sadd.s32 $0x8E00, s10;
	s7 =	smax.u32 s9, $0x1  }
0xc: {  	v0 =	vimm.s32 $0x0;
	v1 =	vimm.f32 $0.0e+00;
	s8 =	simm.s32 $0x1;
	s9 =	simm.s32 $0x2000;
	s10 =	simm.s32 $0x2800  }
.LBB2_1:
0xd: {  	[tilespmem:s2], [sflag:$0x1] =	stream.linear.gather [hbm4b:s3+s2], $0x2000, $0x38;
	[tilespmem:$0x3800] =	vst v63  }
0xe: {  	s14 =	simm.s32 $0x0;
	_ =	swait.ge [sflag:s8], $0x2000  }
0xf: {  	s13 =	sand.u32 $0x70, s2;
	s14 =	sand.u32 $0x3FFFFC00, s14;
	[sflag:s8] =	ssyncset.done $0x0  }
0x10: {  	s14 =	sor.u32 s13, s14;
	[sflag:s8] =	ssyncadd.s32 $0xFFFFE000  }
0x11: {  	v2 =	vld [tilespmem:s14+$0x0]  }
0x12: {  	v3 =	vld [tilespmem:s14+$0x80];
	_ =	sdelay $0x1  }
0x13: {  	v5 =	vld [tilespmem:s14+$0x100];
	_ =	sdelay $0x1  }
0x14: {  	v6 =	vld [tilespmem:s14+$0x180]  }
0x15: {  	vm0 =	vgt.f32 v3, v2  }
0x16: {  	v7 =	vld [tilespmem:s14+$0x200];
	v4 =	vsel vm0, v3, v2  }
0x17: {  	vm1 =	vgt.f32 v5, v4  }
0x18: {  	v8 =	vld [tilespmem:s14+$0x280];
	v4 =	vsel vm1, v5, v4  }
0x19: {  	vm2 =	vgt.f32 v6, v4  }
0x1a: {  	v9 =	vld [tilespmem:s14+$0x300];
	v4 =	vsel vm2, v6, v4  }
0x1b: {  	vm3 =	vgt.f32 v7, v4  }
0x1c: {  	v10 =	vld [tilespmem:s14+$0x380];
	v11 =	vsel vm0, $0x1, v0;
	v4 =	vsel vm3, v7, v4  }
0x1d: {  	v11 =	vsel vm1, $0x2, v11;
	vm8 =	vgt.f32 v8, v4  }
0x1e: {  	v11 =	vsel vm2, $0x3, v11;
	v4 =	vsel vm8, v8, v4  }
0x1f: {  	v11 =	vsel vm3, $0x4, v11;
	vm1 =	vgt.f32 v9, v4  }
0x20: {  	v11 =	vsel vm8, $0x5, v11;
	v12 =	vsel vm1, v9, v4  }
0x21: {  	v4 =	vsel vm1, $0x6, v11;
	vm0 =	vgt.f32 v10, v12  }
0x22: {  	v4 =	vsel vm0, $0x7, v4  }
0x23: {  	vm9 =	vgt.f32 v2, $-1.000000020e+30;
	vm10 =	vne.s32 v4, $0x0  }
0x24: {  	vm2 =	vmand vm9, vm10  }
0x25: {  	v11 =	vnsel vm2, $0xF149F2CA, v2  }
0x26: {  	vm11 =	vne.s32 v4, $0x1;
	vm12 =	vgt.f32 v3, v11  }
0x27: {  	vm3 =	vmand vm11, vm12  }
0x28: {  	v11 =	vsel vm3, v3, v11  }
0x29: {  	vm13 =	vne.s32 v4, $0x2;
	vm4 =	vgt.f32 v5, v11  }
0x2a: {  	vm4 =	vmand vm13, vm4  }
0x2b: {  	v11 =	vsel vm4, v5, v11  }
0x2c: {  	vm14 =	vne.s32 v4, $0x3;
	vm5 =	vgt.f32 v6, v11  }
0x2d: {  	v12 =	vsel vm0, v10, v12;
	vm15 =	vne.s32 v4, $0x4;
	vm5 =	vmand vm14, vm5  }
0x2e: {  	v13 =	vsub.f32 v9, v12;
	v2 =	vsub.f32 v2, v12;
	v11 =	vsel vm5, v6, v11  }
0x2f: {  	v14 =	vsub.f32 v8, v12;
	v5 =	vsub.f32 v5, v12;
	vm6 =	vgt.f32 v7, v11  }
0x30: {  	vm9 =	vne.s32 v4, $0x5;
	v2 =	vmul.f32 $1.442695020e+00, v2;
	vm7 =	vmand vm15, vm6  }
0x31: {  	vm11 =	vne.s32 v4, $0x6;
	v5 =	vmul.f32 $1.442695020e+00, v5;
	v11 =	vsel vm7, v7, v11  }
0x32: {  	v3 =	vsub.f32 v3, v12;
	v6 =	vsub.f32 v6, v12;
	vm10 =	vgt.f32 v8, v11  }
0x33: {  	(erf) = vpow2.f32 v5;
	v7 =	vsub.f32 v7, v12;
	vm8 =	vmand vm9, vm10  }
0x34: {  	(erf) = vpow2.f32 v2;
	v2 =	vmul.f32 $1.442695020e+00, v6;
	v5 =	vsel vm8, v8, v11  }
0x35: {  	v3 =	vmul.f32 $1.442695020e+00, v3;
	v6 =	vmul.f32 $1.442695020e+00, v7;
	vm12 =	vgt.f32 v9, v5  }
0x36: {  	(erf) = vpow2.f32 v2;
	v8 =	vmul.f32 $1.442695020e+00, v14;
	vm6 =	vmand vm11, vm12  }
0x37: {  	v2 =	vmul.f32 $1.442695020e+00, v13;
	(erf) = vpow2.f32 v6;
	v5 =	vsel vm6, v9, v5  }
0x38: {  	vm10 =	vmneg vm0;
	(erf) = vpow2.f32 v8;
	vm2 =	vgt.f32 v10, v5  }
0x39: {  	(erf) = vpow2.f32 v2;
	vm9 =	vmand vm2, vm10  }
0x3a: {  	v6 =	vsub.f32 v10, v12;
	(erf) = vpow2.f32 v3;
	v5 =	vsel vm9, v10, v5  }
0x3b: {  	v2 =	vsub.f32 v5, v12  }
0x3c: {  	v5 =	vmul.f32 $1.442695020e+00, v6  }
0x3d: {  	v22 =	vpop (erf);
	v2 =	vmul.f32 $1.442695020e+00, v2  }
0x3e: {  	v3 =	vsel vm3, $0x1, v0;
	v24 =	vpop (erf);
	(erf) = vpow2.f32 v5  }
0x3f: {  	v19 =	vpop (erf);
	(erf) = vpow2.f32 v2;
	v2 =	vsel vm4, $0x2, v3  }
0x40: {  	v20 =	vpop (erf);
	v2 =	vsel vm5, $0x3, v2  }
0x41: {  	v21 =	vpop (erf);
	v2 =	vsel vm7, $0x4, v2  }
0x42: {  	v18 =	vpop (erf);
	v2 =	vsel vm8, $0x5, v2  }
0x43: {  	v23 =	vpop (erf);
	v2 =	vsel vm6, $0x6, v2  }
0x44: {  	v5 =	vsel vm9, $0x7, v2;
	v2 =	vadd.f32 v23, v24;
	_ =	sdelay $0x1  }
0x45: {  	v2 =	vadd.f32 v2, v22  }
0x46: {  	v17 =	vimm.f32 $0.0e+00;
	v16 =	vimm.f32 $0.0e+00  }
0x47: {  	vm1 =	vmand vm10, vm1;
	vm3 =	veq.s32 v4, $0x4;
	v2 =	vadd.f32 v2, v19  }
0x48: {  	vm10 =	veq.s32 v4, $0x2;
	vm0 =	vmor vm0, vm2;
	vm13 =	veq.s32 v5, $0x2  }
0x49: {  	vm4 =	veq.s32 v4, $0x0;
	vm13 =	vmor vm10, vm13;
	v2 =	vadd.f32 v2, v20  }
0x4a: {  	s30 =	simm.s32 $0x0;
	vm5 =	veq.s32 v4, $0x5;
	v25 =	vpop (erf);
	v8 =	vsel vm13, $0x3F800000, v1;
	vm13 =	veq.s32 v5, $0x5  }
0x4b: {  	s14 =	sand.u32 $0xFFFFFF00, s30;
	vm7 =	veq.s32 v4, $0x1;
	v7 =	vpop (erf);
	vm5 =	vmor vm5, vm13;
	v10 =	vadd.f32 v2, v21  }
0x4c: {  	s17 =	sor.u32 s13, s14;
	vm8 =	veq.s32 v4, $0x3;
	v3 =	vadd.f32 $1.000000000e+00, v7;
	v9 =	vsel vm5, $0x3F800000, v1  }
0x4d: {  	[tilespmem:s17+$0x2800] =	vst v4;
	v4 =	vimm.f32 $0.0e+00;
	v2 =	vadd.f32 v9, v1;
	v9 =	vadd.f32 v10, v18  }
0x4e: {  	vm9 =	vmneg vm9;
	vm11 =	veq.s32 v5, $0x3;
	(erf) = vrcp.f32 v3  }
0x4f: {  	vm12 =	veq.s32 v5, $0x0;
	vm6 =	vmand vm9, vm6;
	v9 =	vadd.f32 v9, v25  }
0x50: {  	vm14 =	veq.s32 v5, $0x1;
	vm15 =	veq.s32 v5, $0x4;
	vm8 =	vmor vm8, vm11  }
0x51: {  	vm7 =	vmor vm7, vm14;
	vm1 =	vmor vm1, vm6;
	(erf) = vrcp.f32 v9  }
0x52: {  	vm14 =	vmor vm4, vm12;
	vm15 =	vmor vm3, vm15;
	v6 =	vsel vm7, $0x3F800000, v1  }
0x53: {  	[tilespmem:s17+$0x2880] =	vst v5;
	v5 =	vimm.f32 $0.0e+00;
	v11 =	vadd.f32 v8, v1;
	v8 =	vsel vm14, $0x3F800000, v1  }
0x54: {  	v14 =	vadd.f32 v6, v1;
	v15 =	vadd.f32 v8, v1;
	v3 =	vsel vm8, $0x3F800000, v1  }
0x55: {  	v8 =	vsel vm15, $0x3F800000, v1;
	v6 =	vadd.f32 v3, v1;
	v3 =	vsel vm1, $0x3F800000, v1  }
0x56: {  	v12 =	vadd.f32 v8, v1;
	v3 =	vadd.f32 v3, v1;
	v10 =	vsel vm0, $0x3F800000, v1  }
0x57: {  	s31 =	simm.s32 $0x10;
	s20 =	simm.s32 $0x2;
	s19 =	simm.s32 $0x80;
	v8 =	vadd.f32 v10, v1;
	v10 =	vimm.f32 $0.0e+00;
	v9 =	vimm.f32 $0.0e+00;
	v13 =	vpop (erf)  }
0x58: {  	s15 =	simm.s32 $0x20;
	s14 =	simm.s32 $0x1;
	s13 =	sand.u32 $0x70, s31;
	v26 =	vmul.f32 v13, v7;
	[tilespmem:s17+$0x2000] =	vst v13;
	v7 =	vimm.f32 $0.0e+00;
	v13 =	vimm.f32 $0.0e+00  }
.LBB2_2:
0x59: {  	s18 =	sand.u32 $0x70, s15  }
0x5a: {  	s21 =	sand.u32 $0x3FFFFC00, s19;
	v27 =	vpop (erf);
	s19 =	smov.u32 s20;
	s16 =	sadd.s32 $0x1, s20  }
0x5b: {  	p0 =	sne.s32 s20, $0x3F;
	s20 =	sor.u32 s13, s21;
	[tilespmem:s17+$0x2080] =	vst v26;
	v24 =	vmul.f32 v27, v24;
	v25 =	vmul.f32 v27, v25  }
0x5c: {  	v22 =	vmul.f32 v27, v22;
	v19 =	vmul.f32 v27, v19;
	v26 =	vld [tilespmem:s20+$0x0]  }
0x5d: {  	v20 =	vmul.f32 v27, v20;
	v21 =	vmul.f32 v27, v21;
	v28 =	vld [tilespmem:s20+$0x80];
	v17 =	vadd.f32 v24, v17  }
0x5e: {  	v18 =	vmul.f32 v27, v18;
	v16 =	vadd.f32 v22, v16;
	v10 =	vadd.f32 v19, v10;
	v24 =	vld [tilespmem:s20+$0x100]  }
0x5f: {  	v19 =	vmul.f32 v27, v23;
	v9 =	vadd.f32 v20, v9;
	v5 =	vadd.f32 v21, v5  }
0x60: {  	v7 =	vadd.f32 v18, v7;
	v4 =	vadd.f32 v25, v4;
	v20 =	vld [tilespmem:s20+$0x180]  }
0x61: {  	v13 =	vadd.f32 v19, v13  }
0x62: {  	v18 =	vld [tilespmem:s20+$0x200];
	vm0 =	vgt.f32 v28, v26  }
0x63: {  	v19 =	vsel vm0, v28, v26  }
0x64: {  	v21 =	vld [tilespmem:s20+$0x280];
	vm1 =	vgt.f32 v24, v19  }
0x65: {  	v19 =	vsel vm1, v24, v19  }
0x66: {  	v23 =	vld [tilespmem:s20+$0x300];
	vm2 =	vgt.f32 v20, v19  }
0x67: {  	v19 =	vsel vm2, v20, v19  }
0x68: {  	v22 =	vsel vm0, $0x1, v0;
	v25 =	vld [tilespmem:s20+$0x380];
	vm0 =	vgt.f32 v18, v19  }
0x69: {  	v22 =	vsel vm1, $0x2, v22;
	v19 =	vsel vm0, v18, v19  }
0x6a: {  	v22 =	vsel vm2, $0x3, v22;
	vm1 =	vgt.f32 v21, v19  }
0x6b: {  	v22 =	vsel vm0, $0x4, v22;
	v19 =	vsel vm1, v21, v19  }
0x6c: {  	v22 =	vsel vm1, $0x5, v22;
	vm1 =	vgt.f32 v23, v19  }
0x6d: {  	s17 =	sshll.u32 s14, $0x5;
	s14 =	smov.u32 s19;
	v19 =	vsel vm1, v23, v19;
	v22 =	vsel vm1, $0x6, v22  }
0x6e: {  	s17 =	sand.u32 $0xFFFFFF00, s17;
	vm0 =	vgt.f32 v25, v19  }
0x6f: {  	s17 =	sor.u32 s13, s17;
	s13 =	smov.u32 s18;
	vm2 =	vgt.f32 v26, $-1.000000020e+30;
	v27 =	vsel vm0, v25, v19;
	v29 =	vsel vm0, $0x7, v22  }
0x70: {  	vm3 =	vne.s32 v29, $0x0;
	[tilespmem:s17+$0x2800] =	vst v29;
	v19 =	vsub.f32 v26, v27;
	v22 =	vsub.f32 v23, v27  }
0x71: {  	v30 =	vsub.f32 v24, v27;
	v31 =	vsub.f32 v21, v27;
	vm2 =	vmand vm2, vm3  }
0x72: {  	v32 =	vsub.f32 v20, v27;
	v26 =	vnsel vm2, $0xF149F2CA, v26;
	vm2 =	vne.s32 v29, $0x1  }
0x73: {  	v33 =	vsub.f32 v28, v27;
	v30 =	vmul.f32 $1.442695020e+00, v30;
	vm3 =	vgt.f32 v28, v26  }
0x74: {  	v34 =	vsub.f32 v18, v27;
	v19 =	vmul.f32 $1.442695020e+00, v19;
	vm2 =	vmand vm2, vm3  }
0x75: {  	vm3 =	vne.s32 v29, $0x2;
	v26 =	vsel vm2, v28, v26;
	(erf) = vpow2.f32 v30  }
0x76: {  	v28 =	vmul.f32 $1.442695020e+00, v31;
	vm4 =	vgt.f32 v24, v26;
	(erf) = vpow2.f32 v19  }
0x77: {  	v30 =	vmul.f32 $1.442695020e+00, v32;
	v19 =	vsel vm2, $0x1, v0;
	vm2 =	vmand vm3, vm4  }
0x78: {  	vm3 =	vne.s32 v29, $0x3;
	v24 =	vsel vm2, v24, v26;
	v26 =	vmul.f32 $1.442695020e+00, v33  }
0x79: {  	v31 =	vmul.f32 $1.442695020e+00, v34;
	vm4 =	vgt.f32 v20, v24;
	(erf) = vpow2.f32 v30  }
0x7a: {  	v30 =	vmul.f32 $1.442695020e+00, v22;
	v22 =	vsub.f32 v25, v27;
	vm3 =	vmand vm3, vm4  }
0x7b: {  	vm4 =	vne.s32 v29, $0x4;
	v20 =	vsel vm3, v20, v24;
	(erf) = vpow2.f32 v31  }
0x7c: {  	v19 =	vsel vm2, $0x2, v19;
	v31 =	vmul.f32 $1.442695020e+00, v22;
	vm2 =	vgt.f32 v18, v20  }
0x7d: {  	v19 =	vsel vm3, $0x3, v19;
	vm2 =	vmand vm4, vm2;
	(erf) = vpow2.f32 v28  }
0x7e: {  	v18 =	vsel vm2, v18, v20;
	v19 =	vsel vm2, $0x4, v19;
	vm2 =	vne.s32 v29, $0x5;
	v22 =	vpop (erf)  }
0x7f: {  	vm3 =	vgt.f32 v21, v18;
	v24 =	vpop (erf);
	(erf) = vpow2.f32 v30  }
0x80: {  	vm2 =	vmand vm2, vm3;
	vm3 =	vne.s32 v29, $0x6;
	(erf) = vpow2.f32 v26  }
0x81: {  	v18 =	vsel vm2, v21, v18;
	(erf) = vpow2.f32 v31  }
0x82: {  	v21 =	vsel vm2, $0x5, v19;
	vm2 =	vgt.f32 v23, v18;
	v19 =	vpop (erf)  }
0x83: {  	vm4 =	veq.s32 v29, $0x0;
	vm7 =	vmand vm3, vm2;
	vm2 =	veq.s32 v29, $0x4  }
0x84: {  	vm8 =	vmneg vm0;
	vm5 =	veq.s32 v29, $0x5;
	v18 =	vsel vm7, v23, v18;
	v20 =	vpop (erf)  }
0x85: {  	vm6 =	veq.s32 v29, $0x1;
	vm9 =	vmand vm8, vm1;
	vm3 =	vgt.f32 v25, v18  }
0x86: {  	vm10 =	veq.s32 v29, $0x3;
	v23 =	vsel vm7, $0x6, v21;
	vm1 =	vmand vm3, vm8;
	v21 =	vpop (erf)  }
0x87: {  	vm11 =	veq.s32 v29, $0x2;
	v28 =	vsel vm1, v25, v18;
	v26 =	vsel vm1, $0x7, v23  }
0x88: {  	vm13 =	vmneg vm1;
	v28 =	vsub.f32 v28, v27;
	[tilespmem:s17+$0x2880] =	vst v26;
	vm12 =	veq.s32 v26, $0x3;
	v18 =	vpop (erf)  }
0x89: {  	vm1 =	veq.s32 v26, $0x0;
	vm14 =	veq.s32 v26, $0x1;
	vm15 =	veq.s32 v26, $0x2;
	v23 =	vpop (erf)  }
0x8a: {  	vm8 =	veq.s32 v26, $0x4;
	vm7 =	vmand vm13, vm7;
	v27 =	vmul.f32 $1.442695020e+00, v28;
	v25 =	vpop (erf)  }
0x8b: {  	vm11 =	vmor vm11, vm15;
	vm10 =	vmor vm10, vm12;
	v28 =	vadd.f32 v23, v24  }
0x8c: {  	vm7 =	vmor vm9, vm7;
	v29 =	vsel vm11, $0x3F800000, v1;
	(erf) = vpow2.f32 v27  }
0x8d: {  	vm6 =	vmor vm6, vm14;
	vm9 =	veq.s32 v26, $0x5;
	v27 =	vsel vm10, $0x3F800000, v1  }
0x8e: {  	vm5 =	vmor vm5, vm9;
	v26 =	vadd.f32 v28, v22;
	v28 =	vsel vm6, $0x3F800000, v1  }
0x8f: {  	v14 =	vadd.f32 v28, v14;
	v6 =	vadd.f32 v27, v6;
	v27 =	vsel vm5, $0x3F800000, v1  }
0x90: {  	v26 =	vadd.f32 v26, v19;
	v2 =	vadd.f32 v27, v2;
	v27 =	vsel vm7, $0x3F800000, v1  }
0x91: {  	vm1 =	vmor vm4, vm1;
	v11 =	vadd.f32 v29, v11;
	v3 =	vadd.f32 v27, v3  }
0x92: {  	v27 =	vsel vm1, $0x3F800000, v1;
	vm1 =	vmor vm2, vm8;
	v26 =	vadd.f32 v26, v20  }
0x93: {  	vm0 =	vmor vm0, vm3;
	v15 =	vadd.f32 v27, v15;
	v29 =	vsel vm1, $0x3F800000, v1  }
0x94: {  	v28 =	vsel vm0, $0x3F800000, v1;
	v12 =	vadd.f32 v29, v12;
	v26 =	vadd.f32 v26, v21  }
0x95: {  	v8 =	vadd.f32 v28, v8;
	v27 =	vpop (erf)  }
0x96: {  	v26 =	vadd.f32 v26, v18;
	v28 =	vadd.f32 $1.000000000e+00, v27;
	_ =	sdelay $0x1  }
0x97: {  	v26 =	vadd.f32 v26, v25;
	(erf) = vrcp.f32 v28;
	_ =	sdelay $0x1  }
0x98: {  	(erf) = vrcp.f32 v26;
	_ =	sdelay $0x3  }
.Ltmp0:
0x99: {  	(pc) =	sbr.rel @p0 .LBB2_2-.Ltmp0, $3  }
0x9a: {  	_ =	sdelay $0x1  }
0x9b: {  	v28 =	vpop (erf)  }
0x9c: {  	s15 =	sadd.s32 $0x10, s15;
	s19 =	sshll.u32 s14, $0x7;
	s20 =	smov.u32 s16;
	v26 =	vmul.f32 v28, v27;
	[tilespmem:s17+$0x2000] =	vst v28  }
0x9d: {  	s15 =	sand.u32 $0x3FFFFC00, s19  }
0x9e: {  	s15 =	sor.u32 s13, s15;
	[tilespmem:s17+$0x2080] =	vst v26  }
0x9f: {  	v26 =	vld [tilespmem:s15+$0x0]  }
0xa0: {  	v27 =	vld [tilespmem:s15+$0x80];
	_ =	sdelay $0x1  }
0xa1: {  	v28 =	vld [tilespmem:s15+$0x100];
	_ =	sdelay $0x1  }
0xa2: {  	v29 =	vld [tilespmem:s15+$0x180]  }
0xa3: {  	vm0 =	vgt.f32 v27, v26  }
0xa4: {  	v30 =	vld [tilespmem:s15+$0x200];
	v31 =	vsel vm0, v27, v26  }
0xa5: {  	vm1 =	vgt.f32 v28, v31  }
0xa6: {  	v32 =	vld [tilespmem:s15+$0x280];
	v31 =	vsel vm1, v28, v31  }
0xa7: {  	vm2 =	vgt.f32 v29, v31  }
0xa8: {  	v33 =	vld [tilespmem:s15+$0x300];
	v31 =	vsel vm2, v29, v31  }
0xa9: {  	vm3 =	vgt.f32 v30, v31  }
0xaa: {  	v34 =	vld [tilespmem:s15+$0x380];
	v35 =	vsel vm0, $0x1, v0;
	v31 =	vsel vm3, v30, v31  }
0xab: {  	v35 =	vsel vm1, $0x2, v35;
	vm10 =	vgt.f32 v32, v31  }
0xac: {  	v35 =	vsel vm2, $0x3, v35;
	v31 =	vsel vm10, v32, v31  }
0xad: {  	v35 =	vsel vm3, $0x4, v35;
	vm1 =	vgt.f32 v33, v31  }
0xae: {  	v35 =	vsel vm10, $0x5, v35;
	v31 =	vsel vm1, v33, v31  }
0xaf: {  	v35 =	vsel vm1, $0x6, v35;
	vm0 =	vgt.f32 v34, v31  }
0xb0: {  	v35 =	vsel vm0, $0x7, v35  }
0xb1: {  	vm11 =	vgt.f32 v26, $-1.000000020e+30;
	vm12 =	vne.s32 v35, $0x0  }
0xb2: {  	vm2 =	vmand vm11, vm12  }
0xb3: {  	v36 =	vnsel vm2, $0xF149F2CA, v26  }
0xb4: {  	vm13 =	vne.s32 v35, $0x1;
	vm14 =	vgt.f32 v27, v36  }
0xb5: {  	vm4 =	vmand vm13, vm14  }
0xb6: {  	v36 =	vsel vm4, v27, v36  }
0xb7: {  	vm15 =	vne.s32 v35, $0x2;
	vm6 =	vgt.f32 v28, v36  }
0xb8: {  	v31 =	vsel vm0, v34, v31;
	vm7 =	vne.s32 v35, $0x3;
	vm5 =	vmand vm15, vm6  }
0xb9: {  	v37 =	vsub.f32 v33, v31;
	v38 =	vsub.f32 v32, v31;
	v36 =	vsel vm5, v28, v36  }
0xba: {  	vm9 =	vne.s32 v35, $0x4;
	v51 =	vsub.f32 v30, v31;
	vm8 =	vgt.f32 v29, v36  }
0xbb: {  	vm11 =	vne.s32 v35, $0x5;
	v28 =	vsub.f32 v28, v31;
	vm8 =	vmand vm7, vm8  }
0xbc: {  	v26 =	vsub.f32 v26, v31;
	v38 =	vmul.f32 $1.442695020e+00, v38;
	v36 =	vsel vm8, v29, v36  }
0xbd: {  	v28 =	vmul.f32 $1.442695020e+00, v28;
	v29 =	vsub.f32 v29, v31;
	vm10 =	vgt.f32 v30, v36  }
0xbe: {  	v54 =	vmul.f32 $1.442695020e+00, v37;
	v26 =	vmul.f32 $1.442695020e+00, v26;
	vm9 =	vmand vm9, vm10  }
0xbf: {  	(erf) = vpow2.f32 v28;
	v52 =	vmul.f32 $1.442695020e+00, v29;
	v53 =	vsel vm9, v30, v36  }
0xc0: {  	v28 =	vmul.f32 $1.442695020e+00, v51;
	(erf) = vpow2.f32 v26;
	vm12 =	vgt.f32 v32, v53  }
0xc1: {  	v27 =	vsub.f32 v27, v31;
	(erf) = vpow2.f32 v52;
	vm10 =	vmand vm11, vm12  }
0xc2: {  	vm13 =	vne.s32 v35, $0x6;
	(erf) = vpow2.f32 v28;
	v55 =	vsel vm10, v32, v53  }
0xc3: {  	v27 =	vmul.f32 $1.442695020e+00, v27;
	(erf) = vpow2.f32 v38;
	vm14 =	vgt.f32 v33, v55  }
0xc4: {  	(erf) = vpow2.f32 v54;
	vm3 =	vmand vm13, vm14  }
0xc5: {  	(erf) = vpow2.f32 v27;
	v56 =	vsel vm3, v33, v55  }
0xc6: {  	v57 =	vsub.f32 v34, v31;
	vm6 =	vmneg vm0;
	vm2 =	vgt.f32 v34, v56  }
0xc7: {  	v27 =	vpop (erf);
	vm7 =	vmand vm2, vm6  }
0xc8: {  	v29 =	vmul.f32 $1.442695020e+00, v57;
	v28 =	vpop (erf);
	v26 =	vsel vm7, v34, v56  }
0xc9: {  	v58 =	vpop (erf);
	v26 =	vsub.f32 v26, v31  }
0xca: {  	v59 =	vpop (erf)  }
0xcb: {  	v32 =	vpop (erf);
	v26 =	vmul.f32 $1.442695020e+00, v26  }
0xcc: {  	(erf) = vpow2.f32 v29;
	v29 =	vpop (erf)  }
0xcd: {  	v33 =	vpop (erf);
	(erf) = vpow2.f32 v26  }
0xce: {  	v60 =	vpop (erf)  }
0xcf: {  	v61 =	vadd.f32 v60, v58;
	_ =	sdelay $0x1  }
0xd0: {  	v34 =	vadd.f32 v61, v28;
	_ =	sdelay $0x1  }
0xd1: {  	v34 =	vadd.f32 v34, v59;
	_ =	sdelay $0x1  }
0xd2: {  	v36 =	vpop (erf);
	v34 =	vadd.f32 v34, v32  }
0xd3: {  	v62 =	vpop (erf)  }
0xd4: {  	v34 =	vadd.f32 v34, v29;
	v63 =	vadd.f32 $1.000000000e+00, v62;
	_ =	sdelay $0x1  }
0xd5: {  	v34 =	vadd.f32 v34, v33;
	(erf) = vrcp.f32 v63;
	_ =	sdelay $0x1  }
0xd6: {  	v34 =	vadd.f32 v34, v36  }
0xd7: {  	v40 =	vsel vm4, $0x1, v0  }
0xd8: {  	v38 =	vsel vm5, $0x2, v40;
	(erf) = vrcp.f32 v34  }
0xd9: {  	v41 =	vsel vm8, $0x3, v38  }
0xda: {  	s14 =	sshll.u32 s14, $0x5;
	v34 =	vsel vm9, $0x4, v41  }
0xdb: {  	s14 =	sand.u32 $0xFFFFFF00, s14;
	v34 =	vsel vm10, $0x5, v34  }
0xdc: {  	s31 =	sor.u32 s13, s14;
	v34 =	vsel vm3, $0x6, v34  }
0xdd: {  	[tilespmem:s31+$0x2800] =	vst v35;
	vm4 =	veq.s32 v35, $0x4;
	v34 =	vsel vm7, $0x7, v34;
	v42 =	vpop (erf)  }
0xde: {  	vm15 =	veq.s32 v35, $0x0;
	vm1 =	vmand vm6, vm1;
	[tilespmem:s31+$0x2880] =	vst v34;
	v43 =	vmul.f32 v42, v62  }
0xdf: {  	vm12 =	veq.s32 v35, $0x1;
	v24 =	vmul.f32 v27, v24;
	v22 =	vmul.f32 v27, v22;
	[tilespmem:s31+$0x2000] =	vst v42  }
0xe0: {  	vm5 =	veq.s32 v35, $0x5;
	v47 =	vmul.f32 v27, v25;
	v19 =	vmul.f32 v27, v19;
	[tilespmem:s31+$0x2080] =	vst v43  }
0xe1: {  	vm14 =	veq.s32 v35, $0x3;
	v20 =	vmul.f32 v27, v20;
	v21 =	vmul.f32 v27, v21;
	v44 =	vpop (erf);
	[hbm4b:s4+s2] =	stream.linear.scatter [tilespmem:s9], [sflag:$0x1], $0x800, $0x38;
	[tilespmem:$0x3800] =	vst v63  }
0xe2: {  	v23 =	vmul.f32 v27, v23;
	v17 =	vadd.f32 v24, v17;
	vm11 =	veq.s32 v34, $0x1;
	_ =	swait.ge [sflag:s8], $0x800  }
0xe3: {  	v5 =	vadd.f32 v21, v5;
	vm13 =	veq.s32 v34, $0x0;
	vm9 =	vmor vm12, vm11;
	[sflag:s8] =	ssyncset.done $0x0  }
0xe4: {  	vm8 =	vmor vm15, vm13;
	vm15 =	veq.s32 v35, $0x2;
	vm11 =	vmneg vm7;
	[sflag:s8] =	ssyncadd.s32 $0xFFFFF800  }
0xe5: {  	vm12 =	veq.s32 v34, $0x2;
	vm13 =	veq.s32 v34, $0x3;
	v45 =	vsel vm9, $0x3F800000, v1;
	[hbm4b:s5+s2] =	stream.linear.scatter [tilespmem:s10], [sflag:$0x1], $0x800, $0x38;
	[tilespmem:$0x3800] =	vst v63  }
0xe6: {  	v46 =	vsel vm8, $0x3F800000, v1;
	vm3 =	vmand vm11, vm3;
	vm6 =	vmor vm15, vm12;
	_ =	swait.ge [sflag:s8], $0x800  }
0xe7: {  	vm7 =	vmor vm14, vm13;
	vm14 =	veq.s32 v34, $0x4;
	v15 =	vadd.f32 v46, v15;
	[sflag:s8] =	ssyncset.done $0x0  }
0xe8: {  	vm15 =	veq.s32 v34, $0x5;
	v14 =	vadd.f32 v45, v14;
	v48 =	vsel vm6, $0x3F800000, v1;
	[sflag:s8] =	ssyncadd.s32 $0xFFFFF800  }
0xe9: {  	v49 =	vsel vm7, $0x3F800000, v1;
	vm4 =	vmor vm4, vm14;
	v11 =	vadd.f32 v48, v11;
	[tilespmem:$0x3000] =	vst v15  }
0xea: {  	vm5 =	vmor vm5, vm15;
	v6 =	vadd.f32 v49, v6;
	v50 =	vsel vm4, $0x3F800000, v1;
	[tilespmem:$0x3080] =	vst v14  }
0xeb: {  	vm1 =	vmor vm1, vm3;
	v51 =	vsel vm5, $0x3F800000, v1;
	v12 =	vadd.f32 v50, v12;
	[tilespmem:$0x3100] =	vst v11  }
0xec: {  	v52 =	vsel vm1, $0x3F800000, v1;
	v2 =	vadd.f32 v51, v2;
	v61 =	vmul.f32 v44, v29;
	[tilespmem:$0x3180] =	vst v6  }
0xed: {  	v16 =	vadd.f32 v22, v16;
	vm0 =	vmor vm0, vm2;
	v3 =	vadd.f32 v52, v3;
	[tilespmem:$0x3200] =	vst v12  }
0xee: {  	v53 =	vsel vm0, $0x3F800000, v1;
	v54 =	vmul.f32 v44, v58;
	v5 =	vadd.f32 v61, v5;
	[tilespmem:$0x3280] =	vst v2  }
0xef: {  	v55 =	vadd.f32 v23, v13;
	v56 =	vmul.f32 v44, v60;
	v6 =	vadd.f32 v53, v8;
	[tilespmem:$0x3300] =	vst v3  }
0xf0: {  	v57 =	vmul.f32 v44, v28;
	v58 =	vmul.f32 v44, v59;
	v11 =	vadd.f32 v54, v17;
	[tilespmem:$0x3680] =	vst v5  }
0xf1: {  	v2 =	vadd.f32 v19, v10;
	v3 =	vmul.f32 v27, v18;
	v8 =	vadd.f32 v56, v55;
	[tilespmem:$0x3380] =	vst v6  }
0xf2: {  	v59 =	vadd.f32 v20, v9;
	v60 =	vmul.f32 v44, v32;
	v10 =	vadd.f32 v57, v16;
	[tilespmem:$0x3400] =	vst v11  }
0xf3: {  	v62 =	vmul.f32 v44, v33;
	v2 =	vadd.f32 v58, v2;
	[tilespmem:$0x3480] =	vst v8;
	v3 =	vadd.f32 v3, v7  }
0xf4: {  	v4 =	vadd.f32 v47, v4;
	v63 =	vmul.f32 v44, v36;
	v6 =	vadd.f32 v60, v59;
	[tilespmem:$0x3500] =	vst v10  }
0xf5: {  	[tilespmem:$0x3580] =	vst v2;
	v2 =	vadd.f32 v62, v3  }
0xf6: {  	s12 =	sadd.s32 $0x1, s12;
	[tilespmem:$0x3600] =	vst v6;
	v3 =	vadd.f32 v63, v4  }
0xf7: {  	p0 =	sne.s32 s12, s7;
	[tilespmem:$0x3700] =	vst v2  }
.Ltmp1:
0xf8: {  	[tilespmem:$0x3780] =	vst v3;
	(pc) =	sbr.rel @p0 .LBB2_1-.Ltmp1, $4  }
0xf9: {  	[hbm4b:s6+s2] =	stream.linear.scatter [tilespmem:s11], [sflag:$0x1], $0x800, $0x38;
	[tilespmem:$0x3800] =	vst v63  }
0xfa: {  	_ =	swait.ge [sflag:s8], $0x800  }
0xfb: {  	[sflag:s8] =	ssyncset.done $0x0  }
0xfc: {  	[sflag:s8] =	ssyncadd.s32 $0xFFFFF800  }
0xfd: {  	_ =	sfence.sel $0x180000  }
0xfe: {  	[bflag:$0x0] =	sbarrier.arrive $0xFFFF  }
0xff: {  	p0 =	sne.s32 s1, $0x0;
	_ =	strace $0x90000047  }
0x100: {  	s0 =	sadd.s32 @!p0 $0x100000, s0;
	[bflag:$0x2] =	sbarrier.arrive $0xFFFF  }
0x101: {  	[sflag:s0] =	ssyncadd.tile.s32 @!p0 $0x1;
	_ =	shalt  }
.Lfunc_end2:
_tile_overlayer_lowered:
.L_overlay_start_2:
0x102: {  	(tag) =	ssettag $0x2  }
0x103: {  	s0 =	rddreg [dreg:$0x0];
	s2 =	stileid.u32  }
0x104: {  	s1 =	rddreg [dreg:$0x1];
	p0 =	sne.s32 s2, $0x0  }
0x105: {  	s3 =	rddreg [dreg:$0x2];
	[bflag:$0x3] =	sbarrier.arrive $0xFFFF;
	s2 =	simm.s32 @!p0 $0x1C01  }
0x106: {  	[timem:s3], [sflag:s2] =	dma.local @!p0 [hbm:s0], s1  }
0x107: {  	s0 =	simm.s32 @!p0 $0x1  }
0x108: {  	_ =	swait.ge @!p0 [sflag:s0], s1  }
0x109: {  	s1 =	ssub.s32 @!p0 $0x0, s1;
	[sflag:s0] =	ssyncset.done @!p0 $0x0  }
0x10a: {  	[sflag:s0] =	ssyncadd.s32 @!p0 s1  }
0x10b: {  	[bflag:$0x3] =	sbarrier.arrive $0xFFFF  }
0x10c: {  	_ =	shalt  }

</sc_bundles>
